<compile_context>
chip_gen: v7x
topology: tpu7x:2x2x1
jax: 0.10.2.dev20260603
libtpu: 0.0.44.dev20260713+nightly
codegen_flags: <defaults>
</compile_context>

<pallas_src>
import jax
import jax.numpy as jnp
import numpy as np
from jax import lax
from jax.experimental import pallas as pl
from jax.experimental.pallas import tpu as pltpu

_N = 10000
_DIM = 128
_H = 8
_DH = 16
_E = 320000
_BLK = 200
_G = _N // _BLK
_EBLK = 4000
_EG = _E // _EBLK


def _dense_pre(x, W_gat, skip_W, P, skip_b):
    def body(x_ref, wg_ref, sw_ref, p_ref, sb_ref,
             h_ref, idn_ref, as_ref, adst_ref, c_ref, mx_ref):
        i = pl.program_id(0)
        xb = x_ref[...]
        h = jnp.dot(xb, wg_ref[...], preferred_element_type=jnp.float32)
        h_ref[...] = h
        idn_ref[...] = (
            jnp.dot(xb, sw_ref[...], preferred_element_type=jnp.float32)
            + sb_ref[...])
        ad = jnp.dot(h, p_ref[...], preferred_element_type=jnp.float32)
        asb = ad[:, 0:16]
        adb = ad[:, 16:32]
        as_ref[...] = asb
        adst_ref[...] = adb
        ms = jnp.max(asb, axis=0, keepdims=True)
        md = jnp.max(adb, axis=0, keepdims=True)
        m = jnp.concatenate([ms, md], axis=1)

        @pl.when(i == 0)
        def _():
            mx_ref[...] = jnp.broadcast_to(m, (8, 32))

        @pl.when(i > 0)
        def _():
            mx_ref[...] = jnp.maximum(mx_ref[...], m)

        @pl.when(i == _G - 1)
        def _():
            s = mx_ref[:, 0:16] + mx_ref[:, 16:32]
            c_ref[...] = jnp.where(s > 0, s, 0.2 * s)

    return pl.pallas_call(
        body,
        grid=(_G,),
        in_specs=[
            pl.BlockSpec((_BLK, _DIM), lambda i: (i, 0)),
            pl.BlockSpec((_DIM, _DIM), lambda i: (0, 0)),
            pl.BlockSpec((_DIM, _DIM), lambda i: (0, 0)),
            pl.BlockSpec((_DIM, 32), lambda i: (0, 0)),
            pl.BlockSpec((1, _DIM), lambda i: (0, 0)),
        ],
        out_specs=[
            pl.BlockSpec((_BLK, _DIM), lambda i: (i, 0)),
            pl.BlockSpec((_BLK, _DIM), lambda i: (i, 0)),
            pl.BlockSpec((_BLK, 16), lambda i: (i, 0)),
            pl.BlockSpec((_BLK, 16), lambda i: (i, 0)),
            pl.BlockSpec((8, 16), lambda i: (0, 0)),
        ],
        out_shape=[
            jax.ShapeDtypeStruct((_N, _DIM), jnp.float32),
            jax.ShapeDtypeStruct((_N, _DIM), jnp.float32),
            jax.ShapeDtypeStruct((_N, 16), jnp.float32),
            jax.ShapeDtypeStruct((_N, 16), jnp.float32),
            jax.ShapeDtypeStruct((8, 16), jnp.float32),
        ],
        scratch_shapes=[pltpu.VMEM((8, 32), jnp.float32)],
    )(x, W_gat, skip_W, P, skip_b)


def _edge_w(e_src, e_dst, cmat):
    def body(es_ref, ed_ref, c_ref, w_ref):
        e = es_ref[...] + ed_ref[...]
        e = jnp.where(e > 0, e, 0.2 * e)
        w_ref[...] = jnp.exp(e - c_ref[...])

    return pl.pallas_call(
        body,
        grid=(_EG,),
        in_specs=[
            pl.BlockSpec((_EBLK, 8), lambda i: (i, 0)),
            pl.BlockSpec((_EBLK, 8), lambda i: (i, 0)),
            pl.BlockSpec((1, 8), lambda i: (0, 0)),
        ],
        out_specs=pl.BlockSpec((_EBLK, 8), lambda i: (i, 0)),
        out_shape=jax.ShapeDtypeStruct((_E, 8), jnp.float32),
    )(e_src, e_dst, cmat)


def _merge(op, dp, emat, bias):
    def body(op_ref, dp_ref, e_ref, b_ref, pre_ref, s1_ref, s2_ref,
             acc1, acc2):
        i = pl.program_id(0)
        o = op_ref[...]
        den = dp_ref[...]
        den128 = jnp.dot(den, e_ref[...], preferred_element_type=jnp.float32)
        pre = o / (den128 + 1e-16) + b_ref[...]
        pre_ref[...] = pre
        cs = jnp.sum(pre, axis=0, keepdims=True)
        cq = jnp.sum(pre * pre, axis=0, keepdims=True)

        @pl.when(i == 0)
        def _():
            acc1[...] = cs
            acc2[...] = cq

        @pl.when(i > 0)
        def _():
            acc1[...] = acc1[...] + cs
            acc2[...] = acc2[...] + cq

        @pl.when(i == _G - 1)
        def _():
            s1_ref[...] = acc1[...]
            s2_ref[...] = acc2[...]

    return pl.pallas_call(
        body,
        grid=(_G,),
        in_specs=[
            pl.BlockSpec((_BLK, _DIM), lambda i: (i, 0)),
            pl.BlockSpec((_BLK, 16), lambda i: (i, 0)),
            pl.BlockSpec((16, _DIM), lambda i: (0, 0)),
            pl.BlockSpec((1, _DIM), lambda i: (0, 0)),
        ],
        out_specs=[
            pl.BlockSpec((_BLK, _DIM), lambda i: (i, 0)),
            pl.BlockSpec((1, _DIM), lambda i: (0, 0)),
            pl.BlockSpec((1, _DIM), lambda i: (0, 0)),
        ],
        out_shape=[
            jax.ShapeDtypeStruct((_N, _DIM), jnp.float32),
            jax.ShapeDtypeStruct((1, _DIM), jnp.float32),
            jax.ShapeDtypeStruct((1, _DIM), jnp.float32),
        ],
        scratch_shapes=[
            pltpu.VMEM((1, _DIM), jnp.float32),
            pltpu.VMEM((1, _DIM), jnp.float32),
        ],
    )(op, dp, emat, bias)


def _finish(pre, s1, s2, gamma, beta, idn):
    inv_n = 1.0 / _N

    def body(pre_ref, s1_ref, s2_ref, g_ref, b_ref, idn_ref, o_ref):
        mean = s1_ref[...] * inv_n
        var = s2_ref[...] * inv_n - mean * mean
        y = (pre_ref[...] - mean) * lax.rsqrt(var + 1e-5) * g_ref[...] + b_ref[...]
        gl = 0.5 * y * (1.0 + lax.erf(y * 0.7071067811865476))
        o_ref[...] = gl + idn_ref[...]

    return pl.pallas_call(
        body,
        grid=(_G,),
        in_specs=[
            pl.BlockSpec((_BLK, _DIM), lambda i: (i, 0)),
            pl.BlockSpec((1, _DIM), lambda i: (0, 0)),
            pl.BlockSpec((1, _DIM), lambda i: (0, 0)),
            pl.BlockSpec((1, _DIM), lambda i: (0, 0)),
            pl.BlockSpec((1, _DIM), lambda i: (0, 0)),
            pl.BlockSpec((_BLK, _DIM), lambda i: (i, 0)),
        ],
        out_specs=pl.BlockSpec((_BLK, _DIM), lambda i: (i, 0)),
        out_shape=jax.ShapeDtypeStruct((_N, _DIM), jnp.float32),
    )(pre, s1, s2, gamma, beta, idn)


def kernel(x, edge_index, W_gat, att_src, att_dst, bias_gat,
           bn_gamma, bn_beta, skip_W, skip_b):
    rows = np.arange(_DIM)
    hh = rows // _DH
    P = jnp.zeros((_DIM, 32), jnp.float32)
    asf = att_src.reshape(_DIM)
    adf = att_dst.reshape(_DIM)
    P = P.at[rows, hh].set(asf)
    P = P.at[rows, hh + 8].set(asf)
    P = P.at[rows, 16 + hh].set(adf)
    P = P.at[rows, 24 + hh].set(adf)

    emat = np.zeros((16, _DIM), np.float32)
    emat[hh, rows] = 1.0
    emat = jnp.asarray(emat)

    src = edge_index[0].astype(jnp.int32)
    dst = edge_index[1].astype(jnp.int32)

    h, idn, astab, adtab, cmat = _dense_pre(
        x, W_gat, skip_W, P, skip_b.reshape(1, _DIM))

    e = astab[src, :8] + adtab[dst, :8]
    e = jnp.where(e > 0, e, 0.2 * e)
    w = jnp.exp(e - cmat[0, :8][None, :])
    dp = jax.ops.segment_sum(w, dst, num_segments=_N)
    dp = jnp.pad(dp, ((0, 0), (0, 8)))
    msg = h.reshape(_N, _H, _DH)[src] * w[:, :, None]
    op = jax.ops.segment_sum(msg, dst, num_segments=_N).reshape(_N, _DIM)

    pre, s1, s2 = _merge(op, dp, emat, bias_gat.reshape(1, _DIM))
    return _finish(pre, s1, s2, bn_gamma.reshape(1, _DIM),
                   bn_beta.reshape(1, _DIM), idn)

# --- scband reference (transcript-rebuilt; emitter-appended) ---
"""Pipeline reference for scband-graph-attention-layer-61804579389526 (READ-ONLY COPY).

The authoritative reference and input builder live on the scoring server;
editing this copy changes nothing except your own understanding.
"""

import jax, jax.numpy as jnp
import numpy as np

DIM = 128
HEADS = 8
HEAD_DIM = DIM // HEADS
N_NODES = 10000
N_EDGES = 320000


def setup_inputs(seed: int = 0) -> dict:
    key = jax.random.key(seed)
    ks = jax.random.split(key, 12)
    x = jax.random.normal(ks[0], (N_NODES, DIM), dtype=jnp.float32)
    edge_index = jax.random.randint(ks[1], (2, N_EDGES), 0, N_NODES, dtype=jnp.int64)
    W_gat = jax.random.normal(ks[2], (DIM, HEADS * HEAD_DIM), dtype=jnp.float32) * (1.0 / np.sqrt(DIM))
    att_src = jax.random.normal(ks[3], (HEADS, HEAD_DIM), dtype=jnp.float32) * 0.1
    att_dst = jax.random.normal(ks[4], (HEADS, HEAD_DIM), dtype=jnp.float32) * 0.1
    bias_gat = jnp.zeros((DIM,), dtype=jnp.float32)
    bn_gamma = jnp.ones((DIM,), dtype=jnp.float32)
    bn_beta = jnp.zeros((DIM,), dtype=jnp.float32)
    skip_W = jax.random.normal(ks[5], (DIM, DIM), dtype=jnp.float32) * (1.0 / np.sqrt(DIM))
    skip_b = jnp.zeros((DIM,), dtype=jnp.float32)
    return {"x": x, "edge_index": edge_index, "W_gat": W_gat, "att_src": att_src,
            "att_dst": att_dst, "bias_gat": bias_gat, "bn_gamma": bn_gamma,
            "bn_beta": bn_beta, "skip_W": skip_W, "skip_b": skip_b}


def reference(x, edge_index, W_gat, att_src, att_dst, bias_gat, bn_gamma, bn_beta, skip_W, skip_b):
    N = x.shape[0]
    # skip branch: Linear(dim, dim)
    identity = x @ skip_W + skip_b
    # GATConv(dim, dim//8, heads=8, concat=True), dropout off (eval)
    h = (x @ W_gat).reshape(N, HEADS, HEAD_DIM)
    a_src = jnp.sum(h * att_src[None, :, :], axis=-1)  # [N, H]
    a_dst = jnp.sum(h * att_dst[None, :, :], axis=-1)  # [N, H]
    src = edge_index[0]
    dst = edge_index[1]
    e = a_src[src] + a_dst[dst]  # [E, H]
    e = jax.nn.leaky_relu(e, negative_slope=0.2)
    # softmax over incoming edges per destination node
    e_max = jax.ops.segment_max(e, dst, num_segments=N)
    e_max = jnp.where(jnp.isfinite(e_max), e_max, 0.0)
    e_exp = jnp.exp(e - e_max[dst])
    denom = jax.ops.segment_sum(e_exp, dst, num_segments=N)
    alpha = e_exp / (denom[dst] + 1e-16)  # [E, H]
    msg = h[src] * alpha[:, :, None]  # [E, H, Dh]
    out = jax.ops.segment_sum(msg, dst, num_segments=N)
    out = out.reshape(N, HEADS * HEAD_DIM) + bias_gat
    # BatchNorm1d (training-mode batch statistics)
    mean = jnp.mean(out, axis=0)
    var = jnp.var(out, axis=0)
    out = (out - mean) / jnp.sqrt(var + 1e-5) * bn_gamma + bn_beta
    # GELU (exact erf, matching torch default)
    out = jax.nn.gelu(out, approximate=False)
    return out + identity

if __name__ == "__main__":
    import jax
    _d = setup_inputs()
    print(jax.jit(kernel)(*tuple(_d.values())))

</pallas_src>

<mosaic_0001>
module attributes {stable_mosaic.version = 14 : i64} {
  func.func @body(%arg0: i32, %arg1: memref<200x128xf32, #tpu.memory_space<vmem>>, %arg2: memref<128x128xf32, #tpu.memory_space<vmem>>, %arg3: memref<128x128xf32, #tpu.memory_space<vmem>>, %arg4: memref<128x32xf32, #tpu.memory_space<vmem>>, %arg5: memref<1x128xf32, #tpu.memory_space<vmem>>, %arg6: memref<200x128xf32, #tpu.memory_space<vmem>>, %arg7: memref<200x128xf32, #tpu.memory_space<vmem>>, %arg8: memref<200x16xf32, #tpu.memory_space<vmem>>, %arg9: memref<200x16xf32, #tpu.memory_space<vmem>>, %arg10: memref<8x16xf32, #tpu.memory_space<vmem>>, %arg11: memref<8x32xf32, #tpu.memory_space<vmem>>) attributes {dimension_semantics = [#tpu.dimension_semantics<arbitrary>], iteration_bounds = array<i64: 50>, scalar_prefetch = 0 : i64, scratch_operands = 1 : i64, tpu.core_type = #tpu.core_type<tc>, window_params = [{transform_indices = @transform_0, window_bounds = array<i64: 200, 128>}, {pipeline_mode = #tpu.pipeline_mode<synchronous>, transform_indices = @transform_1, window_bounds = array<i64: 128, 128>}, {pipeline_mode = #tpu.pipeline_mode<synchronous>, transform_indices = @transform_2, window_bounds = array<i64: 128, 128>}, {pipeline_mode = #tpu.pipeline_mode<synchronous>, transform_indices = @transform_3, window_bounds = array<i64: 128, 32>}, {pipeline_mode = #tpu.pipeline_mode<synchronous>, transform_indices = @transform_4, window_bounds = array<i64: 1, 128>}, {transform_indices = @transform_5, window_bounds = array<i64: 200, 128>}, {transform_indices = @transform_6, window_bounds = array<i64: 200, 128>}, {transform_indices = @transform_7, window_bounds = array<i64: 200, 16>}, {transform_indices = @transform_8, window_bounds = array<i64: 200, 16>}, {pipeline_mode = #tpu.pipeline_mode<synchronous>, transform_indices = @transform_9, window_bounds = array<i64: 8, 16>}]} {
    %get3A = arith.constant 0 : index
    %get3A_0 = arith.constant 0 : index
    %get3A_1 = vector.load %arg1[%get3A, %get3A_0] : memref<200x128xf32, #tpu.memory_space<vmem>>, vector<200x128xf32>
    %get3A_2 = arith.constant 0 : index
    %get3A_3 = arith.constant 0 : index
    %get3A_4 = vector.load %arg2[%get3A_2, %get3A_3] : memref<128x128xf32, #tpu.memory_space<vmem>>, vector<128x128xf32>
    %dot_general3A = arith.constant dense<0.000000e+00> : vector<200x128xf32>
    %dot_general3A_5 = tpu.matmul %get3A_1, %get3A_4, %dot_general3A {dimension_numbers = #tpu.dot_dimension_numbers<[1], [0], [0], [1], [0, 0, 1, 1], [], []>, transpose_lhs_hint = false} : vector<200x128xf32>, vector<128x128xf32>, vector<200x128xf32> -> vector<200x128xf32>
    %swap3A = arith.constant 0 : index
    %swap3A_6 = arith.constant 0 : index
    %swap3A_7 = vector.load %arg6[%swap3A, %swap3A_6] : memref<200x128xf32, #tpu.memory_space<vmem>>, vector<200x128xf32>
    tpu.vector_store %arg6[%swap3A, %swap3A_6], %dot_general3A_5 {strides = array<i32>} : memref<200x128xf32, #tpu.memory_space<vmem>>, vector<200x128xf32>,
    %get3A_8 = arith.constant 0 : index
    %get3A_9 = arith.constant 0 : index
    %get3A_10 = vector.load %arg3[%get3A_8, %get3A_9] : memref<128x128xf32, #tpu.memory_space<vmem>>, vector<128x128xf32>
    %dot_general3A_11 = arith.constant dense<0.000000e+00> : vector<200x128xf32>
    %dot_general3A_12 = tpu.matmul %get3A_1, %get3A_10, %dot_general3A_11 {dimension_numbers = #tpu.dot_dimension_numbers<[1], [0], [0], [1], [0, 0, 1, 1], [], []>, transpose_lhs_hint = false} : vector<200x128xf32>, vector<128x128xf32>, vector<200x128xf32> -> vector<200x128xf32>
    %get3A_13 = arith.constant 0 : index
    %get3A_14 = arith.constant 0 : index
    %get3A_15 = vector.load %arg5[%get3A_13, %get3A_14] : memref<1x128xf32, #tpu.memory_space<vmem>>, vector<1x128xf32>
    %add3A = vector.broadcast %get3A_15 : vector<1x128xf32> to vector<200x128xf32>
    %add3A_16 = arith.addf %dot_general3A_12, %add3A : vector<200x128xf32>
    %swap3A_17 = arith.constant 0 : index
    %swap3A_18 = arith.constant 0 : index
    %swap3A_19 = vector.load %arg7[%swap3A_17, %swap3A_18] : memref<200x128xf32, #tpu.memory_space<vmem>>, vector<200x128xf32>
    tpu.vector_store %arg7[%swap3A_17, %swap3A_18], %add3A_16 {strides = array<i32>} : memref<200x128xf32, #tpu.memory_space<vmem>>, vector<200x128xf32>,
    %get3A_20 = arith.constant 0 : index
    %get3A_21 = arith.constant 0 : index
    %get3A_22 = vector.load %arg4[%get3A_20, %get3A_21] : memref<128x32xf32, #tpu.memory_space<vmem>>, vector<128x32xf32>
    %dot_general3A_23 = arith.constant dense<0.000000e+00> : vector<200x32xf32>
    %dot_general3A_24 = tpu.matmul %dot_general3A_5, %get3A_22, %dot_general3A_23 {dimension_numbers = #tpu.dot_dimension_numbers<[1], [0], [0], [1], [0, 0, 1, 1], [], []>, transpose_lhs_hint = false} : vector<200x128xf32>, vector<128x32xf32>, vector<200x32xf32> -> vector<200x32xf32>
    %slice3A = vector.extract_strided_slice %dot_general3A_24 {offsets = [0, 0], sizes = [200, 16], strides = [1, 1]} : vector<200x32xf32> to vector<200x16xf32>
    %slice3A_25 = vector.extract_strided_slice %dot_general3A_24 {offsets = [0, 16], sizes = [200, 16], strides = [1, 1]} : vector<200x32xf32> to vector<200x16xf32>
    %swap3A_26 = arith.constant 0 : index
    %swap3A_27 = arith.constant 0 : index
    %swap3A_28 = vector.load %arg8[%swap3A_26, %swap3A_27] : memref<200x16xf32, #tpu.memory_space<vmem>>, vector<200x16xf32>
    tpu.vector_store %arg8[%swap3A_26, %swap3A_27], %slice3A {strides = array<i32>} : memref<200x16xf32, #tpu.memory_space<vmem>>, vector<200x16xf32>,
    %swap3A_29 = arith.constant 0 : index
    %swap3A_30 = arith.constant 0 : index
    %swap3A_31 = vector.load %arg9[%swap3A_29, %swap3A_30] : memref<200x16xf32, #tpu.memory_space<vmem>>, vector<200x16xf32>
    tpu.vector_store %arg9[%swap3A_29, %swap3A_30], %slice3A_25 {strides = array<i32>} : memref<200x16xf32, #tpu.memory_space<vmem>>, vector<200x16xf32>,
    %reduce_max3A = arith.constant dense<0xFF800000> : vector<16xf32>
    %reduce_max3A_32 = vector.multi_reduction <maximumf>, %slice3A, %reduce_max3A [0] : vector<200x16xf32> to vector<16xf32>
    %broadcast_in_dim3A = vector.shape_cast %reduce_max3A_32 : vector<16xf32> to vector<1x16xf32>
    %reduce_max3A_33 = arith.constant dense<0xFF800000> : vector<16xf32>
    %reduce_max3A_34 = vector.multi_reduction <maximumf>, %slice3A_25, %reduce_max3A_33 [0] : vector<200x16xf32> to vector<16xf32>
    %broadcast_in_dim3A_35 = vector.shape_cast %reduce_max3A_34 : vector<16xf32> to vector<1x16xf32>
    %concatenate3A = tpu.concatenate %broadcast_in_dim3A, %broadcast_in_dim3A_35 in 1 : vector<1x16xf32>, vector<1x16xf32> -> vector<1x32xf32>
    %eq3A = arith.constant 0 : i32
    %eq3A_36 = arith.cmpi eq, %arg0, %eq3A : i32
    %convert_element_type3A = arith.extui %eq3A_36 : i1 to i32
    %cond3A = arith.constant 0 : i32
    %cond3A_37 = arith.cmpi ne, %convert_element_type3A, %cond3A : i32
    scf.if %cond3A_37 {
      %broadcast_in_dim3A_47 = vector.shape_cast %concatenate3A : vector<1x32xf32> to vector<1x32xf32>
      %broadcast_in_dim3A_48 = vector.broadcast %broadcast_in_dim3A_47 : vector<1x32xf32> to vector<8x32xf32>
      %swap3A_49 = arith.constant 0 : index
      %swap3A_50 = arith.constant 0 : index
      %swap3A_51 = vector.load %arg11[%swap3A_49, %swap3A_50] : memref<8x32xf32, #tpu.memory_space<vmem>>, vector<8x32xf32>
      tpu.vector_store %arg11[%swap3A_49, %swap3A_50], %broadcast_in_dim3A_48 {strides = array<i32>} : memref<8x32xf32, #tpu.memory_space<vmem>>, vector<8x32xf32>,
    } else {
    }
    %gt3A = arith.constant 0 : i32
    %gt3A_38 = arith.cmpi sgt, %arg0, %gt3A : i32
    %convert_element_type3A_39 = arith.extui %gt3A_38 : i1 to i32
    %cond3A_40 = arith.constant 0 : i32
    %cond3A_41 = arith.cmpi ne, %convert_element_type3A_39, %cond3A_40 : i32
    scf.if %cond3A_41 {
      %get3A_47 = arith.constant 0 : index
      %get3A_48 = arith.constant 0 : index
      %get3A_49 = vector.load %arg11[%get3A_47, %get3A_48] : memref<8x32xf32, #tpu.memory_space<vmem>>, vector<8x32xf32>
      %max3A = vector.broadcast %concatenate3A : vector<1x32xf32> to vector<8x32xf32>
      %max3A_50 = arith.maximumf %get3A_49, %max3A : vector<8x32xf32>
      %swap3A_51 = arith.constant 0 : index
      %swap3A_52 = arith.constant 0 : index
      %swap3A_53 = vector.load %arg11[%swap3A_51, %swap3A_52] : memref<8x32xf32, #tpu.memory_space<vmem>>, vector<8x32xf32>
      tpu.vector_store %arg11[%swap3A_51, %swap3A_52], %max3A_50 {strides = array<i32>} : memref<8x32xf32, #tpu.memory_space<vmem>>, vector<8x32xf32>,
    } else {
    }
    %eq3A_42 = arith.constant 49 : i32
    %eq3A_43 = arith.cmpi eq, %arg0, %eq3A_42 : i32
    %convert_element_type3A_44 = arith.extui %eq3A_43 : i1 to i32
    %cond3A_45 = arith.constant 0 : i32
    %cond3A_46 = arith.cmpi ne, %convert_element_type3A_44, %cond3A_45 : i32
    scf.if %cond3A_46 {
      %get3A_47 = arith.constant 0 : index
      %get3A_48 = arith.constant 0 : index
      %get3A_49 = vector.load %arg11[%get3A_47, %get3A_48] : memref<8x32xf32, #tpu.memory_space<vmem>>, vector<8x16xf32>
      %get3A_50 = arith.constant 0 : index
      %get3A_51 = arith.constant 16 : index
      %get3A_52 = vector.load %arg11[%get3A_50, %get3A_51] : memref<8x32xf32, #tpu.memory_space<vmem>>, vector<8x16xf32>
      %add3A_53 = arith.addf %get3A_49, %get3A_52 : vector<8x16xf32>
      %gt3A_54 = arith.constant 0.000000e+00 : f32
      %gt3A_55 = vector.broadcast %gt3A_54 : f32 to vector<8x16xf32>
      %gt3A_56 = arith.cmpf ogt, %add3A_53, %gt3A_55 : vector<8x16xf32>
      %mul3A = arith.constant 2.000000e-01 : f32
      %mul3A_57 = vector.broadcast %mul3A : f32 to vector<8x16xf32>
      %mul3A_58 = arith.mulf %mul3A_57, %add3A_53 : vector<8x16xf32>
      %select_n3A = arith.select %gt3A_56, %add3A_53, %mul3A_58 : vector<8x16xi1>, vector<8x16xf32>
      %swap3A_59 = arith.constant 0 : index
      %swap3A_60 = arith.constant 0 : index
      %swap3A_61 = vector.load %arg10[%swap3A_59, %swap3A_60] : memref<8x16xf32, #tpu.memory_space<vmem>>, vector<8x16xf32>
      tpu.vector_store %arg10[%swap3A_59, %swap3A_60], %select_n3A {strides = array<i32>} : memref<8x16xf32, #tpu.memory_space<vmem>>, vector<8x16xf32>,
    } else {
    }
    return
  }
  func.func @transform_0(%arg0: i32) -> (i32, i32) {
    %c0_i32 = arith.constant 0 : i32
    %c0_i32_0 = arith.constant 0 : i32
    return %arg0, %c0_i32 : i32, i32
  }
  func.func @transform_1(%arg0: i32) -> (i32, i32) {
    %c0_i32 = arith.constant 0 : i32
    %c0_i32_0 = arith.constant 0 : i32
    %c0_i32_1 = arith.constant 0 : i32
    return %c0_i32, %c0_i32_0 : i32, i32
  }
  func.func @transform_2(%arg0: i32) -> (i32, i32) {
    %c0_i32 = arith.constant 0 : i32
    %c0_i32_0 = arith.constant 0 : i32
    %c0_i32_1 = arith.constant 0 : i32
    return %c0_i32, %c0_i32_0 : i32, i32
  }
  func.func @transform_3(%arg0: i32) -> (i32, i32) {
    %c0_i32 = arith.constant 0 : i32
    %c0_i32_0 = arith.constant 0 : i32
    %c0_i32_1 = arith.constant 0 : i32
    return %c0_i32, %c0_i32_0 : i32, i32
  }
  func.func @transform_4(%arg0: i32) -> (i32, i32) {
    %c0_i32 = arith.constant 0 : i32
    %c0_i32_0 = arith.constant 0 : i32
    %c0_i32_1 = arith.constant 0 : i32
    return %c0_i32, %c0_i32_0 : i32, i32
  }
  func.func @transform_5(%arg0: i32) -> (i32, i32) {
    %c0_i32 = arith.constant 0 : i32
    %c0_i32_0 = arith.constant 0 : i32
    return %arg0, %c0_i32 : i32, i32
  }
  func.func @transform_6(%arg0: i32) -> (i32, i32) {
    %c0_i32 = arith.constant 0 : i32
    %c0_i32_0 = arith.constant 0 : i32
    return %arg0, %c0_i32 : i32, i32
  }
  func.func @transform_7(%arg0: i32) -> (i32, i32) {
    %c0_i32 = arith.constant 0 : i32
    %c0_i32_0 = arith.constant 0 : i32
    return %arg0, %c0_i32 : i32, i32
  }
  func.func @transform_8(%arg0: i32) -> (i32, i32) {
    %c0_i32 = arith.constant 0 : i32
    %c0_i32_0 = arith.constant 0 : i32
    return %arg0, %c0_i32 : i32, i32
  }
  func.func @transform_9(%arg0: i32) -> (i32, i32) {
    %c0_i32 = arith.constant 0 : i32
    %c0_i32_0 = arith.constant 0 : i32
    %c0_i32_1 = arith.constant 0 : i32
    return %c0_i32, %c0_i32_0 : i32, i32
  }
}

module attributes {stable_mosaic.version = 14 : i64} {
  func.func @body(%arg0: i32, %arg1: memref<200x128xf32, #tpu.memory_space<vmem>>, %arg2: memref<200x16xf32, #tpu.memory_space<vmem>>, %arg3: memref<16x128xf32, #tpu.memory_space<vmem>>, %arg4: memref<1x128xf32, #tpu.memory_space<vmem>>, %arg5: memref<200x128xf32, #tpu.memory_space<vmem>>, %arg6: memref<1x128xf32, #tpu.memory_space<vmem>>, %arg7: memref<1x128xf32, #tpu.memory_space<vmem>>, %arg8: memref<1x128xf32, #tpu.memory_space<vmem>>, %arg9: memref<1x128xf32, #tpu.memory_space<vmem>>) attributes {dimension_semantics = [#tpu.dimension_semantics<arbitrary>], iteration_bounds = array<i64: 50>, scalar_prefetch = 0 : i64, scratch_operands = 2 : i64, tpu.core_type = #tpu.core_type<tc>, window_params = [{transform_indices = @transform_0, window_bounds = array<i64: 200, 128>}, {transform_indices = @transform_1, window_bounds = array<i64: 200, 16>}, {pipeline_mode = #tpu.pipeline_mode<synchronous>, transform_indices = @transform_2, window_bounds = array<i64: 16, 128>}, {pipeline_mode = #tpu.pipeline_mode<synchronous>, transform_indices = @transform_3, window_bounds = array<i64: 1, 128>}, {transform_indices = @transform_4, window_bounds = array<i64: 200, 128>}, {pipeline_mode = #tpu.pipeline_mode<synchronous>, transform_indices = @transform_5, window_bounds = array<i64: 1, 128>}, {pipeline_mode = #tpu.pipeline_mode<synchronous>, transform_indices = @transform_6, window_bounds = array<i64: 1, 128>}]} {
    %get3A = arith.constant 0 : index
    %get3A_0 = arith.constant 0 : index
    %get3A_1 = vector.load %arg1[%get3A, %get3A_0] : memref<200x128xf32, #tpu.memory_space<vmem>>, vector<200x128xf32>
    %get3A_2 = arith.constant 0 : index
    %get3A_3 = arith.constant 0 : index
    %get3A_4 = vector.load %arg2[%get3A_2, %get3A_3] : memref<200x16xf32, #tpu.memory_space<vmem>>, vector<200x16xf32>
    %get3A_5 = arith.constant 0 : index
    %get3A_6 = arith.constant 0 : index
    %get3A_7 = vector.load %arg3[%get3A_5, %get3A_6] : memref<16x128xf32, #tpu.memory_space<vmem>>, vector<16x128xf32>
    %dot_general3A = arith.constant dense<0.000000e+00> : vector<200x128xf32>
    %dot_general3A_8 = tpu.matmul %get3A_4, %get3A_7, %dot_general3A {dimension_numbers = #tpu.dot_dimension_numbers<[1], [0], [0], [1], [0, 0, 1, 1], [], []>, transpose_lhs_hint = false} : vector<200x16xf32>, vector<16x128xf32>, vector<200x128xf32> -> vector<200x128xf32>
    %add3A = arith.constant 1.000000e-16 : f32
    %add3A_9 = vector.broadcast %add3A : f32 to vector<200x128xf32>
    %add3A_10 = arith.addf %dot_general3A_8, %add3A_9 : vector<200x128xf32>
    %div3A = arith.divf %get3A_1, %add3A_10 : vector<200x128xf32>
    %get3A_11 = arith.constant 0 : index
    %get3A_12 = arith.constant 0 : index
    %get3A_13 = vector.load %arg4[%get3A_11, %get3A_12] : memref<1x128xf32, #tpu.memory_space<vmem>>, vector<1x128xf32>
    %add3A_14 = vector.broadcast %get3A_13 : vector<1x128xf32> to vector<200x128xf32>
    %add3A_15 = arith.addf %div3A, %add3A_14 : vector<200x128xf32>
    %swap3A = arith.constant 0 : index
    %swap3A_16 = arith.constant 0 : index
    %swap3A_17 = vector.load %arg5[%swap3A, %swap3A_16] : memref<200x128xf32, #tpu.memory_space<vmem>>, vector<200x128xf32>
    tpu.vector_store %arg5[%swap3A, %swap3A_16], %add3A_15 {strides = array<i32>} : memref<200x128xf32, #tpu.memory_space<vmem>>, vector<200x128xf32>,
    %reduce_sum3A = arith.constant dense<0.000000e+00> : vector<128xf32>
    %reduce_sum3A_18 = vector.multi_reduction <add>, %add3A_15, %reduce_sum3A [0] : vector<200x128xf32> to vector<128xf32>
    %broadcast_in_dim3A = vector.shape_cast %reduce_sum3A_18 : vector<128xf32> to vector<1x128xf32>
    %mul3A = arith.mulf %add3A_15, %add3A_15 : vector<200x128xf32>
    %reduce_sum3A_19 = arith.constant dense<0.000000e+00> : vector<128xf32>
    %reduce_sum3A_20 = vector.multi_reduction <add>, %mul3A, %reduce_sum3A_19 [0] : vector<200x128xf32> to vector<128xf32>
    %broadcast_in_dim3A_21 = vector.shape_cast %reduce_sum3A_20 : vector<128xf32> to vector<1x128xf32>
    %eq3A = arith.constant 0 : i32
    %eq3A_22 = arith.cmpi eq, %arg0, %eq3A : i32
    %convert_element_type3A = arith.extui %eq3A_22 : i1 to i32
    %cond3A = arith.constant 0 : i32
    %cond3A_23 = arith.cmpi ne, %convert_element_type3A, %cond3A : i32
    scf.if %cond3A_23 {
      %swap3A_33 = arith.constant 0 : index
      %swap3A_34 = arith.constant 0 : index
      %swap3A_35 = vector.load %arg8[%swap3A_33, %swap3A_34] : memref<1x128xf32, #tpu.memory_space<vmem>>, vector<1x128xf32>
      tpu.vector_store %arg8[%swap3A_33, %swap3A_34], %broadcast_in_dim3A {strides = array<i32>} : memref<1x128xf32, #tpu.memory_space<vmem>>, vector<1x128xf32>,
      %swap3A_36 = arith.constant 0 : index
      %swap3A_37 = arith.constant 0 : index
      %swap3A_38 = vector.load %arg9[%swap3A_36, %swap3A_37] : memref<1x128xf32, #tpu.memory_space<vmem>>, vector<1x128xf32>
      tpu.vector_store %arg9[%swap3A_36, %swap3A_37], %broadcast_in_dim3A_21 {strides = array<i32>} : memref<1x128xf32, #tpu.memory_space<vmem>>, vector<1x128xf32>,
    } else {
    }
    %gt3A = arith.constant 0 : i32
    %gt3A_24 = arith.cmpi sgt, %arg0, %gt3A : i32
    %convert_element_type3A_25 = arith.extui %gt3A_24 : i1 to i32
    %cond3A_26 = arith.constant 0 : i32
    %cond3A_27 = arith.cmpi ne, %convert_element_type3A_25, %cond3A_26 : i32
    scf.if %cond3A_27 {
      %get3A_33 = arith.constant 0 : index
      %get3A_34 = arith.constant 0 : index
      %get3A_35 = vector.load %arg8[%get3A_33, %get3A_34] : memref<1x128xf32, #tpu.memory_space<vmem>>, vector<1x128xf32>
      %add3A_36 = arith.addf %get3A_35, %broadcast_in_dim3A : vector<1x128xf32>
      %swap3A_37 = arith.constant 0 : index
      %swap3A_38 = arith.constant 0 : index
      %swap3A_39 = vector.load %arg8[%swap3A_37, %swap3A_38] : memref<1x128xf32, #tpu.memory_space<vmem>>, vector<1x128xf32>
      tpu.vector_store %arg8[%swap3A_37, %swap3A_38], %add3A_36 {strides = array<i32>} : memref<1x128xf32, #tpu.memory_space<vmem>>, vector<1x128xf32>,
      %get3A_40 = arith.constant 0 : index
      %get3A_41 = arith.constant 0 : index
      %get3A_42 = vector.load %arg9[%get3A_40, %get3A_41] : memref<1x128xf32, #tpu.memory_space<vmem>>, vector<1x128xf32>
      %add3A_43 = arith.addf %get3A_42, %broadcast_in_dim3A_21 : vector<1x128xf32>
      %swap3A_44 = arith.constant 0 : index
      %swap3A_45 = arith.constant 0 : index
      %swap3A_46 = vector.load %arg9[%swap3A_44, %swap3A_45] : memref<1x128xf32, #tpu.memory_space<vmem>>, vector<1x128xf32>
      tpu.vector_store %arg9[%swap3A_44, %swap3A_45], %add3A_43 {strides = array<i32>} : memref<1x128xf32, #tpu.memory_space<vmem>>, vector<1x128xf32>,
    } else {
    }
    %eq3A_28 = arith.constant 49 : i32
    %eq3A_29 = arith.cmpi eq, %arg0, %eq3A_28 : i32
    %convert_element_type3A_30 = arith.extui %eq3A_29 : i1 to i32
    %cond3A_31 = arith.constant 0 : i32
    %cond3A_32 = arith.cmpi ne, %convert_element_type3A_30, %cond3A_31 : i32
    scf.if %cond3A_32 {
      %get3A_33 = arith.constant 0 : index
      %get3A_34 = arith.constant 0 : index
      %get3A_35 = vector.load %arg8[%get3A_33, %get3A_34] : memref<1x128xf32, #tpu.memory_space<vmem>>, vector<1x128xf32>
      %swap3A_36 = arith.constant 0 : index
      %swap3A_37 = arith.constant 0 : index
      %swap3A_38 = vector.load %arg6[%swap3A_36, %swap3A_37] : memref<1x128xf32, #tpu.memory_space<vmem>>, vector<1x128xf32>
      tpu.vector_store %arg6[%swap3A_36, %swap3A_37], %get3A_35 {strides = array<i32>} : memref<1x128xf32, #tpu.memory_space<vmem>>, vector<1x128xf32>,
      %get3A_39 = arith.constant 0 : index
      %get3A_40 = arith.constant 0 : index
      %get3A_41 = vector.load %arg9[%get3A_39, %get3A_40] : memref<1x128xf32, #tpu.memory_space<vmem>>, vector<1x128xf32>
      %swap3A_42 = arith.constant 0 : index
      %swap3A_43 = arith.constant 0 : index
      %swap3A_44 = vector.load %arg7[%swap3A_42, %swap3A_43] : memref<1x128xf32, #tpu.memory_space<vmem>>, vector<1x128xf32>
      tpu.vector_store %arg7[%swap3A_42, %swap3A_43], %get3A_41 {strides = array<i32>} : memref<1x128xf32, #tpu.memory_space<vmem>>, vector<1x128xf32>,
    } else {
    }
    return
  }
  func.func @transform_0(%arg0: i32) -> (i32, i32) {
    %c0_i32 = arith.constant 0 : i32
    %c0_i32_0 = arith.constant 0 : i32
    return %arg0, %c0_i32 : i32, i32
  }
  func.func @transform_1(%arg0: i32) -> (i32, i32) {
    %c0_i32 = arith.constant 0 : i32
    %c0_i32_0 = arith.constant 0 : i32
    return %arg0, %c0_i32 : i32, i32
  }
  func.func @transform_2(%arg0: i32) -> (i32, i32) {
    %c0_i32 = arith.constant 0 : i32
    %c0_i32_0 = arith.constant 0 : i32
    %c0_i32_1 = arith.constant 0 : i32
    return %c0_i32, %c0_i32_0 : i32, i32
  }
  func.func @transform_3(%arg0: i32) -> (i32, i32) {
    %c0_i32 = arith.constant 0 : i32
    %c0_i32_0 = arith.constant 0 : i32
    %c0_i32_1 = arith.constant 0 : i32
    return %c0_i32, %c0_i32_0 : i32, i32
  }
  func.func @transform_4(%arg0: i32) -> (i32, i32) {
    %c0_i32 = arith.constant 0 : i32
    %c0_i32_0 = arith.constant 0 : i32
    return %arg0, %c0_i32 : i32, i32
  }
  func.func @transform_5(%arg0: i32) -> (i32, i32) {
    %c0_i32 = arith.constant 0 : i32
    %c0_i32_0 = arith.constant 0 : i32
    %c0_i32_1 = arith.constant 0 : i32
    return %c0_i32, %c0_i32_0 : i32, i32
  }
  func.func @transform_6(%arg0: i32) -> (i32, i32) {
    %c0_i32 = arith.constant 0 : i32
    %c0_i32_0 = arith.constant 0 : i32
    %c0_i32_1 = arith.constant 0 : i32
    return %c0_i32, %c0_i32_0 : i32, i32
  }
}

module attributes {stable_mosaic.version = 14 : i64} {
  func.func @body(%arg0: i32, %arg1: memref<200x128xf32, #tpu.memory_space<vmem>>, %arg2: memref<1x128xf32, #tpu.memory_space<vmem>>, %arg3: memref<1x128xf32, #tpu.memory_space<vmem>>, %arg4: memref<1x128xf32, #tpu.memory_space<vmem>>, %arg5: memref<1x128xf32, #tpu.memory_space<vmem>>, %arg6: memref<200x128xf32, #tpu.memory_space<vmem>>, %arg7: memref<200x128xf32, #tpu.memory_space<vmem>>) attributes {dimension_semantics = [#tpu.dimension_semantics<arbitrary>], iteration_bounds = array<i64: 50>, scalar_prefetch = 0 : i64, scratch_operands = 0 : i64, tpu.core_type = #tpu.core_type<tc>, window_params = [{transform_indices = @transform_0, window_bounds = array<i64: 200, 128>}, {pipeline_mode = #tpu.pipeline_mode<synchronous>, transform_indices = @transform_1, window_bounds = array<i64: 1, 128>}, {pipeline_mode = #tpu.pipeline_mode<synchronous>, transform_indices = @transform_2, window_bounds = array<i64: 1, 128>}, {pipeline_mode = #tpu.pipeline_mode<synchronous>, transform_indices = @transform_3, window_bounds = array<i64: 1, 128>}, {pipeline_mode = #tpu.pipeline_mode<synchronous>, transform_indices = @transform_4, window_bounds = array<i64: 1, 128>}, {transform_indices = @transform_5, window_bounds = array<i64: 200, 128>}, {transform_indices = @transform_6, window_bounds = array<i64: 200, 128>}]} {
    %get3A = arith.constant 0 : index
    %get3A_0 = arith.constant 0 : index
    %get3A_1 = vector.load %arg2[%get3A, %get3A_0] : memref<1x128xf32, #tpu.memory_space<vmem>>, vector<1x128xf32>
    %mul3A = arith.constant 9.99999974E-5 : f32
    %mul3A_2 = vector.broadcast %mul3A : f32 to vector<1x128xf32>
    %mul3A_3 = arith.mulf %get3A_1, %mul3A_2 : vector<1x128xf32>
    %get3A_4 = arith.constant 0 : index
    %get3A_5 = arith.constant 0 : index
    %get3A_6 = vector.load %arg3[%get3A_4, %get3A_5] : memref<1x128xf32, #tpu.memory_space<vmem>>, vector<1x128xf32>
    %mul3A_7 = arith.constant 9.99999974E-5 : f32
    %mul3A_8 = vector.broadcast %mul3A_7 : f32 to vector<1x128xf32>
    %mul3A_9 = arith.mulf %get3A_6, %mul3A_8 : vector<1x128xf32>
    %mul3A_10 = arith.mulf %mul3A_3, %mul3A_3 : vector<1x128xf32>
    %sub3A = arith.subf %mul3A_9, %mul3A_10 : vector<1x128xf32>
    %get3A_11 = arith.constant 0 : index
    %get3A_12 = arith.constant 0 : index
    %get3A_13 = vector.load %arg1[%get3A_11, %get3A_12] : memref<200x128xf32, #tpu.memory_space<vmem>>, vector<200x128xf32>
    %sub3A_14 = vector.broadcast %mul3A_3 : vector<1x128xf32> to vector<200x128xf32>
    %sub3A_15 = arith.subf %get3A_13, %sub3A_14 : vector<200x128xf32>
    %add3A = arith.constant 9.99999974E-6 : f32
    %add3A_16 = vector.broadcast %add3A : f32 to vector<1x128xf32>
    %add3A_17 = arith.addf %sub3A, %add3A_16 : vector<1x128xf32>
    %rsqrt3A = math.rsqrt %add3A_17 : vector<1x128xf32>
    %mul3A_18 = vector.broadcast %rsqrt3A : vector<1x128xf32> to vector<200x128xf32>
    %mul3A_19 = arith.mulf %sub3A_15, %mul3A_18 : vector<200x128xf32>
    %get3A_20 = arith.constant 0 : index
    %get3A_21 = arith.constant 0 : index
    %get3A_22 = vector.load %arg4[%get3A_20, %get3A_21] : memref<1x128xf32, #tpu.memory_space<vmem>>, vector<1x128xf32>
    %mul3A_23 = vector.broadcast %get3A_22 : vector<1x128xf32> to vector<200x128xf32>
    %mul3A_24 = arith.mulf %mul3A_19, %mul3A_23 : vector<200x128xf32>
    %get3A_25 = arith.constant 0 : index
    %get3A_26 = arith.constant 0 : index
    %get3A_27 = vector.load %arg5[%get3A_25, %get3A_26] : memref<1x128xf32, #tpu.memory_space<vmem>>, vector<1x128xf32>
    %add3A_28 = vector.broadcast %get3A_27 : vector<1x128xf32> to vector<200x128xf32>
    %add3A_29 = arith.addf %mul3A_24, %add3A_28 : vector<200x128xf32>
    %mul3A_30 = arith.constant 5.000000e-01 : f32
    %mul3A_31 = vector.broadcast %mul3A_30 : f32 to vector<200x128xf32>
    %mul3A_32 = arith.mulf %mul3A_31, %add3A_29 : vector<200x128xf32>
    %mul3A_33 = arith.constant 0.707106769 : f32
    %mul3A_34 = vector.broadcast %mul3A_33 : f32 to vector<200x128xf32>
    %mul3A_35 = arith.mulf %add3A_29, %mul3A_34 : vector<200x128xf32>
    %erf3A = math.erf %mul3A_35 : vector<200x128xf32>
    %add3A_36 = arith.constant 1.000000e+00 : f32
    %add3A_37 = vector.broadcast %add3A_36 : f32 to vector<200x128xf32>
    %add3A_38 = arith.addf %add3A_37, %erf3A : vector<200x128xf32>
    %mul3A_39 = arith.mulf %mul3A_32, %add3A_38 : vector<200x128xf32>
    %get3A_40 = arith.constant 0 : index
    %get3A_41 = arith.constant 0 : index
    %get3A_42 = vector.load %arg6[%get3A_40, %get3A_41] : memref<200x128xf32, #tpu.memory_space<vmem>>, vector<200x128xf32>
    %add3A_43 = arith.addf %mul3A_39, %get3A_42 : vector<200x128xf32>
    %swap3A = arith.constant 0 : index
    %swap3A_44 = arith.constant 0 : index
    %swap3A_45 = vector.load %arg7[%swap3A, %swap3A_44] : memref<200x128xf32, #tpu.memory_space<vmem>>, vector<200x128xf32>
    tpu.vector_store %arg7[%swap3A, %swap3A_44], %add3A_43 {strides = array<i32>} : memref<200x128xf32, #tpu.memory_space<vmem>>, vector<200x128xf32>,
    return
  }
  func.func @transform_0(%arg0: i32) -> (i32, i32) {
    %c0_i32 = arith.constant 0 : i32
    %c0_i32_0 = arith.constant 0 : i32
    return %arg0, %c0_i32 : i32, i32
  }
  func.func @transform_1(%arg0: i32) -> (i32, i32) {
    %c0_i32 = arith.constant 0 : i32
    %c0_i32_0 = arith.constant 0 : i32
    %c0_i32_1 = arith.constant 0 : i32
    return %c0_i32, %c0_i32_0 : i32, i32
  }
  func.func @transform_2(%arg0: i32) -> (i32, i32) {
    %c0_i32 = arith.constant 0 : i32
    %c0_i32_0 = arith.constant 0 : i32
    %c0_i32_1 = arith.constant 0 : i32
    return %c0_i32, %c0_i32_0 : i32, i32
  }
  func.func @transform_3(%arg0: i32) -> (i32, i32) {
    %c0_i32 = arith.constant 0 : i32
    %c0_i32_0 = arith.constant 0 : i32
    %c0_i32_1 = arith.constant 0 : i32
    return %c0_i32, %c0_i32_0 : i32, i32
  }
  func.func @transform_4(%arg0: i32) -> (i32, i32) {
    %c0_i32 = arith.constant 0 : i32
    %c0_i32_0 = arith.constant 0 : i32
    %c0_i32_1 = arith.constant 0 : i32
    return %c0_i32, %c0_i32_0 : i32, i32
  }
  func.func @transform_5(%arg0: i32) -> (i32, i32) {
    %c0_i32 = arith.constant 0 : i32
    %c0_i32_0 = arith.constant 0 : i32
    return %arg0, %c0_i32 : i32, i32
  }
  func.func @transform_6(%arg0: i32) -> (i32, i32) {
    %c0_i32 = arith.constant 0 : i32
    %c0_i32_0 = arith.constant 0 : i32
    return %arg0, %c0_i32 : i32, i32
  }
}

</mosaic_0001>

<sc_bundles>
// kernel: scatter_offload_async_start
scs
__scs_entry_jumppad:
0x0: {  	(pc) =	sbr.rel $0x88, $3  }
0x1: {  	(tag) =	ssettag $0x0;
	lr =	simm.s32 $0x1  }
0x2: {  	[smem:$0x3F97] =	sst lr;
	_ =	strace $0xD0000000  }
0x3: {  	_ = 	snop  }
0x4: {  	_ = 	snop  }
0x5: {  	_ = 	snop  }
0x6: {  	_ = 	snop  }
0x7: {  	_ = 	snop  }
__scs_overlays_trampoline_lowered:
0x8: {  	[smem:$0x3FA6] =	sst s0  }
0x9: {  	[smem:$0x3FA7] =	sst s1  }
0xa: {  	[smem:$0x3FA8] =	sst s2  }
0xb: {  	[smem:$0x3FA9] =	sst s3  }
0xc: {  	[smem:$0x3FAA] =	sst s4  }
0xd: {  	[smem:$0x3FAB] =	sst s5  }
0xe: {  	[smem:$0x3FAC] =	sst s6  }
0xf: {  	[smem:$0x3FAD] =	sst s7  }
0x10: {  	[smem:$0x3FAE] =	sst s8  }
0x11: {  	[smem:$0x3FAF] =	sst s9;
	s0 =	simm.s32 @!p0 $0x0  }
0x12: {  	s1 =	sld [smem:$0x3F95];
	s0 =	simm.s32 @p0 $0x1  }
0x13: {  	[smem:$0x3FB0] =	sst s0;
	s0 =	simm.s32 @!p1 $0x0  }
0x14: {  	s2 =	sld [smem:$0x3F94];
	s0 =	simm.s32 @p1 $0x1  }
0x15: {  	[smem:$0x3FB1] =	sst s0;
	s0 =	simm.s32 @!p2 $0x0  }
0x16: {  	s3 =	sld [smem:$0x3FDB];
	s0 =	simm.s32 @p2 $0x1  }
0x17: {  	s4 =	simm.s32 $0x1BF5;
	[smem:$0x3FB3] =	sst s0  }
0x18: {  	s0 =	sld [smem:$0x3F96];
	_ =	swait.ge [sflag:s4], $0x0  }
0x19: {  	s7 =	sld [smem:$0x3F97]  }
0x1a: {  	s8 =	sadd.s32 $0xFFFFE003, lr  }
0x1b: {  	s9 =	sadd.s32 $0xFFFFFEF7, lr;
	s5 =	simm.s32 $0xFFFFFFFF;
	p2 =	slt.u32 s8, $0xFFFFF086  }
0x1c: {  	p1 =	slt.u32 s9, $0xF7A;
	s5 =	simm.s32 @!p2 $0x0  }
0x1d: {  	s5 =	simm.s32 @p1 $0x1;
	p0 =	seq.s32 s7, s2  }
0x1e: {  	s7 =	smul.u32 @!p0 $0xF7A, s2;
	p2 =	seq.s32 @!p0 s5, $0x0  }
0x1f: {  	s9 =	smul.u32 $0xF7A, s1;
	s8 =	simm.s32 @!p0 $0x1BF5;
	p2 =	por !p2, p0  }
0x20: {  	[sflag:s8] =	ssyncset.s32 @!p0 $0xFFFFF086;
	s6 =	sadd.s32 @!p0 s3, s7;
	s7 =	simm.s32 @!p0 $0x108  }
0x21: {  	s3 =	sadd.s32 s3, s9;
	s6 =	sadd.s32 @!p0 $0x88, s6;
	s7 =	simm.s32 @p2 $0x1082  }
0x22: {  	[simem:s7], [sflag:s8] =	dma.local @!p0 [hbm:s6], $0xF7A  }
0x23: {  	s9 =	sor.u32 $0xD0000000, s2;
	s6 =	simm.s32 $0x108;
	_ =	swait.ge @!p0 [sflag:s8], $0x0  }
0x24: {  	s3 =	sadd.s32 $0x88, s3;
	s6 =	simm.s32 @!p1 $0x1082;
	[sflag:s4] =	ssyncset.s32 $0xFFFFF086  }
0x25: {  	[simem:s6], [sflag:s4] =	dma.local [hbm:s3], $0xF7A  }
0x26: {  	[smem:$0x3F97] =	sst s1;
	(tag) =	ssettag s2;
	_ =	strace s9  }
0x27: {  	s1 =	sld [smem:$0x3FA7]  }
0x28: {  	s2 =	sld [smem:$0x3FA8]  }
0x29: {  	s4 =	sld [smem:$0x3FAA]  }
0x2a: {  	p0 =	seq.s32 s5, $0x0;
	s5 =	sld [smem:$0x3FAB]  }
0x2b: {  	s6 =	sld [smem:$0x3FAC]  }
0x2c: {  	s7 =	sld [smem:$0x3FAD]  }
0x2d: {  	s3 =	simm.s32 $0x108;
	s8 =	sld [smem:$0x3FAE]  }
0x2e: {  	s3 =	simm.s32 @!p0 $0x1082;
	s9 =	sld [smem:$0x3FAF]  }
0x2f: {  	lr =	sadd.s32 s0, s3;
	s0 =	sld [smem:$0x3FA6]  }
0x30: {  	s3 =	sld [smem:$0x3FA9]  }
0x31: {  	[smem:$0x3FB2] =	sst s10  }
0x32: {  	s10 =	sld [smem:$0x3FB0];
	_ =	sdelay $0x3  }
0x33: {  	p0 =	seq.s32 s10, $0x1;
	s10 =	sld [smem:$0x3FB2];
	_ =	sdelay $0x3  }
0x34: {  	[smem:$0x3FB2] =	sst s10  }
0x35: {  	s10 =	sld [smem:$0x3FB1];
	_ =	sdelay $0x3  }
0x36: {  	p1 =	seq.s32 s10, $0x1;
	s10 =	sld [smem:$0x3FB2];
	_ =	sdelay $0x3  }
0x37: {  	[smem:$0x3FB2] =	sst s10  }
0x38: {  	s10 =	sld [smem:$0x3FB3]  }
0x39: {  	_ = 	snop;
	(pc) =	sbr.ind lr, $3  }
0x3a: {  	_ = 	snop  }
0x3b: {  	_ = 	snop  }
0x3c: {  	p2 =	seq.s32 s10, $0x1;
	s10 =	sld [smem:$0x3FB2]  }
0x3d: {  	_ =	shalt  }
0x3e: {  	_ =	shalt  }
0x3f: {  	_ =	shalt  }
0x40: {  	_ =	shalt  }
0x41: {  	_ =	shalt  }
0x42: {  	_ =	shalt  }
0x43: {  	_ =	shalt  }
0x44: {  	_ =	shalt  }
0x45: {  	_ =	shalt  }
0x46: {  	_ =	shalt  }
0x47: {  	_ =	shalt  }
0x48: {  	_ =	shalt  }
0x49: {  	_ =	shalt  }
0x4a: {  	_ =	shalt  }
0x4b: {  	_ =	shalt  }
0x4c: {  	_ =	shalt  }
0x4d: {  	_ =	shalt  }
0x4e: {  	_ =	shalt  }
0x4f: {  	_ =	shalt  }
0x50: {  	_ =	shalt  }
0x51: {  	_ =	shalt  }
0x52: {  	_ =	shalt  }
0x53: {  	_ =	shalt  }
0x54: {  	_ =	shalt  }
0x55: {  	_ =	shalt  }
0x56: {  	_ =	shalt  }
0x57: {  	_ =	shalt  }
0x58: {  	_ =	shalt  }
0x59: {  	_ =	shalt  }
0x5a: {  	_ =	shalt  }
0x5b: {  	_ =	shalt  }
0x5c: {  	_ =	shalt  }
0x5d: {  	_ =	shalt  }
0x5e: {  	_ =	shalt  }
0x5f: {  	_ =	shalt  }
0x60: {  	_ =	shalt  }
0x61: {  	_ =	shalt  }
0x62: {  	_ =	shalt  }
0x63: {  	_ =	shalt  }
0x64: {  	_ =	shalt  }
0x65: {  	_ =	shalt  }
0x66: {  	_ =	shalt  }
0x67: {  	_ =	shalt  }
0x68: {  	_ =	shalt  }
0x69: {  	_ =	shalt  }
0x6a: {  	_ =	shalt  }
0x6b: {  	_ =	shalt  }
0x6c: {  	_ =	shalt  }
0x6d: {  	_ =	shalt  }
0x6e: {  	_ =	shalt  }
0x6f: {  	_ =	shalt  }
0x70: {  	_ =	shalt  }
0x71: {  	_ =	shalt  }
0x72: {  	_ =	shalt  }
0x73: {  	_ =	shalt  }
0x74: {  	_ =	shalt  }
0x75: {  	_ =	shalt  }
0x76: {  	_ =	shalt  }
0x77: {  	_ =	shalt  }
0x78: {  	_ =	shalt  }
0x79: {  	_ =	shalt  }
0x7a: {  	_ =	shalt  }
0x7b: {  	_ =	shalt  }
0x7c: {  	_ =	shalt  }
0x7d: {  	_ =	shalt  }
0x7e: {  	_ =	shalt  }
0x7f: {  	_ =	shalt  }
0x80: {  	_ =	shalt  }
0x81: {  	_ =	shalt  }
0x82: {  	_ =	shalt  }
0x83: {  	_ =	shalt  }
0x84: {  	_ =	shalt  }
0x85: {  	_ =	shalt  }
0x86: {  	_ =	shalt  }
0x87: {  	_ =	shalt  }
.Lfunc_end0:
.L_simem_size_0:
called_computation_lowered:
.L_overlay_start_0:
0x88: {  	s2 =	sld [smem:$0x3FD9]  }
0x89: {  	s3 =	sld [smem:$0x3FFE];
	_ =	sdelay $0x1  }
0x8a: {  	s1 =	srdreg.scid  }
0x8b: {  	s0 =	sand.u32 $0x1, s1  }
0x8c: {  	s16 =	sshll.u32 s0, $0xA;
	s2 =	sadd.s32 s3, s2  }
0x8d: {  	s2 =	sadd.s32 s2, s16  }
0x8e: {  	[smem:$0x3FBE] =	sst s2  }
0x8f: {  	_ = 	snop  }
0x90: {  	s2 =	sld [smem:$0x3FD0];
	(tm) =	ssettm $0x1  }
0x91: {  	s17 =	sld [smem:$0x3FFB];
	_ =	sdelay $0x3  }
0x92: {  	_ =	strace s17  }
0x93: {  	s3 =	sld [smem:$0x3FFC];
	_ =	sdelay $0x3  }
0x94: {  	_ =	strace s3  }
0x95: {  	s3 =	sld [smem:$0x3FFD];
	_ =	sdelay $0x3  }
0x96: {  	_ =	strace s3  }
0x97: {  	_ =	strace $0x8FFFFFFF  }
0x98: {  	s18 =	sld [smem:$0x3FDB];
	_ =	sdelay $0x1  }
0x99: {  	s4 =	simm.s32 $_scs_section_size  }
0x9a: {  	s5 =	simm.s32 $_size__tile_overlayer_lowered;
	s6 =	simm.s32 $_tile_overlayer_lowered  }
0x9b: {  	s21 =	simm.s32 $0x1BFF;
	s20 =	sshll.u32 s6, $0x1;
	s3 =	sadd.s32 s4, s18  }
0x9c: {  	s7 =	simm.s32 $0x0;
	s19 =	sshll.u32 s5, $0x1;
	s5 =	sadd.s32 s20, s3  }
0x9d: {  	[timem:s7], [sflag:s21] =	dma.local [hbm:s5], s19  }
0x9e: {  	_ =	swait.ge [sflag:s21], s19  }
0x9f: {  	s4 =	ssub.s32 $0x0, s19;
	[sflag:s21] =	ssyncset.done $0x0  }
0xa0: {  	[sflag:s21] =	ssyncadd.s32 s4;
	_ =	sdelay $0x1  }
0xa1: {  	s22 =	simm.s32 $0x1B8B  }
0xa2: {  	_ =	swait.ge [sflag:s22], $0x1  }
0xa3: {  	[sflag:s22] =	ssyncset.done $0x0  }
0xa4: {  	s23 =	sld [smem:$0x3FFE];
	[sflag:s22] =	ssyncadd.s32 $0xFFFFFFFF  }
0xa5: {  	s25 =	simm.s32 $0x1B8E;
	s24 =	sld [smem:$0x0]  }
0xa6: {  	s26 =	simm.s32 $execute0_lowered;
	[smem:$0x3FD2] =	sst s25  }
0xa7: {  	s6 =	sshll.u32 s26, $0x1;
	_ =	strace $0x80000046;
	[dreg:$0x1] =	wrdreg $0xFFFFFFFF  }
0xa8: {  	s28 =	simm.s32 $_size_execute0_lowered;
	s3 =	sadd.s32 s3, s6;
	[dreg:$0x0] =	wrdreg $0x0  }
0xa9: {  	s6 =	sshll.u32 s28, $0x1;
	[dreg:$0x2] =	wrdreg s3  }
0xaa: {  	[dreg:$0x3] =	wrdreg s6  }
0xab: {  	[dreg:$0x4] =	wrdreg $0xC0  }
0xac: {  	_ =	task [dreg:s7], $0x5FFFF  }
0xad: {  	[dreg:$0x1] =	wrdreg $0xFFFFFFFF  }
0xae: {  	[dreg:$0x0] =	wrdreg $0x60  }
0xaf: {  	[dreg:$0x2] =	wrdreg s2  }
0xb0: {  	[dreg:$0x3] =	wrdreg s23  }
0xb1: {  	[dreg:$0x4] =	wrdreg s1  }
0xb2: {  	[dreg:$0x5] =	wrdreg s24  }
0xb3: {  	[dreg:$0x6] =	wrdreg $0x9  }
0xb4: {  	_ =	task.clear_ibuf [dreg:s7], $0x7FFFF;
	_ =	strace $0x90000046  }
0xb5: {  	s29 =	simm.s32 $0x9;
	_ =	strace $0x80000048  }
0xb6: {  	_ =	swait.ge [sflag:s29], $0x1  }
0xb7: {  	[sflag:s29] =	ssyncadd.s32 $0xFFFFFFFF  }
0xb8: {  	_ =	strace $0x90000048  }
0xb9: {  	_ =	sfence  }
0xba: {  	s30 =	sld [smem:$0x0];
	_ =	sdelay $0x2  }
0xbb: {  	s31 =	sshll.u32 s1, $0xD;
	s1 =	sshrl.u32 s1, $0x2  }
0xbc: {  	s3 =	sand.u32 $0x4000, s31;
	s1 =	sadd.s32 s1, s30  }
0xbd: {  	s0 =	sor.u32 s3, s0;
	s1 =	sshll.u32 s1, $0x11  }
0xbe: {  	s0 =	sor.u32 s1, s0  }
0xbf: {  	s0 =	sadd.s32 $0x8F2B, s0  }
0xc0: {  	[sflag:s0] =	ssyncadd.remote.s32 $0x1  }
0xc1: {  	_ =	sfence.sel $0xFFFF  }
0xc2: {  	[dreg:$0x0] =	wrdreg $0xFFFFFFFF;
	(pc) =	sbr.abs _section_cstart, $3  }
0xc3: {  	[dreg:$0x1] =	wrdreg $0xFFFFFFFF  }
0xc4: {  	_ =	task.clear_ibuf [dreg:s7], $0x2FFFF;
	_ =	strace $0x9FFFFFFF  }
0xc5: {  	(tm) =	ssettm $0x7FFFFFFF  }
tec
execute0_lowered:
.L_overlay_start_1:
0x0: {  	(tag) =	ssettag $0x1  }
0x1: {  	s1 =	rddreg [dreg:$0x0]  }
0x2: {  	s11 =	rddreg [dreg:$0x1]  }
0x3: {  	s3 =	rddreg [dreg:$0x2];
	_ =	strace $0x80000047;
	s12 =	simm.s32 $0x1  }
0x4: {  	v0 =	vimm.s32 $0x0;
	[sflag:s12] =	ssyncpa.u1 $0x0  }
0x5: {  	[tilespmem:$0x28] =	vst v0  }
0x6: {  	[tilespmem:$0x38] =	vst v0  }
0x7: {  	[tilespmem:$0x48] =	vst v0  }
0x8: {  	[tilespmem:$0x58] =	vst v0  }
0x9: {  	[tilespmem:$0x68] =	vst v0  }
0xa: {  	[tilespmem:$0x78] =	vst v0  }
0xb: {  	[tilespmem:$0x88] =	vst v0  }
0xc: {  	[tilespmem:$0x98] =	vst v0  }
0xd: {  	[tilespmem:$0xA8] =	vst v0  }
0xe: {  	[tilespmem:$0xB8] =	vst v0  }
0xf: {  	[tilespmem:$0xC8] =	vst v0  }
0x10: {  	[tilespmem:$0xD8] =	vst v0  }
0x11: {  	[tilespmem:$0xE8] =	vst v0  }
0x12: {  	[tilespmem:$0xF8] =	vst v0  }
0x13: {  	[tilespmem:$0x108] =	vst v0  }
0x14: {  	[tilespmem:$0x118] =	vst v0  }
0x15: {  	[tilespmem:$0x128] =	vst v0  }
0x16: {  	[tilespmem:$0x138] =	vst v0  }
0x17: {  	[tilespmem:$0x148] =	vst v0  }
0x18: {  	[tilespmem:$0x158] =	vst v0  }
0x19: {  	[tilespmem:$0x168] =	vst v0  }
0x1a: {  	[tilespmem:$0x178] =	vst v0  }
0x1b: {  	[tilespmem:$0x188] =	vst v0  }
0x1c: {  	[tilespmem:$0x198] =	vst v0  }
0x1d: {  	[tilespmem:$0x1A8] =	vst v0  }
0x1e: {  	[tilespmem:$0x1B8] =	vst v0  }
0x1f: {  	[tilespmem:$0x1C8] =	vst v0  }
0x20: {  	[tilespmem:$0x1D8] =	vst v0  }
0x21: {  	[tilespmem:$0x1E8] =	vst v0  }
0x22: {  	[tilespmem:$0x1F8] =	vst v0  }
0x23: {  	[tilespmem:$0x208] =	vst v0  }
0x24: {  	[tilespmem:$0x218] =	vst v0  }
0x25: {  	[tilespmem:$0x228] =	vst v0  }
0x26: {  	[tilespmem:$0x238] =	vst v0  }
0x27: {  	[tilespmem:$0x248] =	vst v0  }
0x28: {  	[tilespmem:$0x258] =	vst v0  }
0x29: {  	[tilespmem:$0x268] =	vst v0  }
0x2a: {  	[tilespmem:$0x278] =	vst v0  }
0x2b: {  	[tilespmem:$0x288] =	vst v0  }
0x2c: {  	[tilespmem:$0x298] =	vst v0  }
0x2d: {  	[tilespmem:$0x2A8] =	vst v0  }
0x2e: {  	[tilespmem:$0x2B8] =	vst v0  }
0x2f: {  	[tilespmem:$0x2C8] =	vst v0  }
0x30: {  	[tilespmem:$0x2D8] =	vst v0  }
0x31: {  	[tilespmem:$0x2E8] =	vst v0  }
0x32: {  	[tilespmem:$0x2F8] =	vst v0  }
0x33: {  	[tilespmem:$0x308] =	vst v0  }
0x34: {  	[tilespmem:$0x318] =	vst v0  }
0x35: {  	[tilespmem:$0x328] =	vst v0  }
0x36: {  	[tilespmem:$0x338] =	vst v0  }
0x37: {  	[tilespmem:$0x348] =	vst v0  }
0x38: {  	[tilespmem:$0x358] =	vst v0  }
0x39: {  	[tilespmem:$0x368] =	vst v0  }
0x3a: {  	[tilespmem:$0x378] =	vst v0  }
0x3b: {  	[tilespmem:$0x388] =	vst v0  }
0x3c: {  	[tilespmem:$0x398] =	vst v0  }
0x3d: {  	[tilespmem:$0x3A8] =	vst v0  }
0x3e: {  	[tilespmem:$0x3B8] =	vst v0  }
0x3f: {  	[tilespmem:$0x3C8] =	vst v0  }
0x40: {  	[tilespmem:$0x3D8] =	vst v0  }
0x41: {  	[tilespmem:$0x3E8] =	vst v0  }
0x42: {  	[tilespmem:$0x3F8] =	vst v0  }
0x43: {  	[tilespmem:$0x408] =	vst v0  }
0x44: {  	[tilespmem:$0x418] =	vst v0  }
0x45: {  	[tilespmem:$0x428] =	vst v0  }
0x46: {  	[tilespmem:$0x438] =	vst v0  }
0x47: {  	[tilespmem:$0x448] =	vst v0  }
0x48: {  	[tilespmem:$0x458] =	vst v0  }
0x49: {  	[tilespmem:$0x468] =	vst v0  }
0x4a: {  	[tilespmem:$0x478] =	vst v0  }
0x4b: {  	[tilespmem:$0x488] =	vst v0  }
0x4c: {  	[tilespmem:$0x498] =	vst v0  }
0x4d: {  	[tilespmem:$0x4A8] =	vst v0  }
0x4e: {  	[tilespmem:$0x4B8] =	vst v0  }
0x4f: {  	[tilespmem:$0x4C8] =	vst v0  }
0x50: {  	[tilespmem:$0x4D8] =	vst v0  }
0x51: {  	[tilespmem:$0x4E8] =	vst v0  }
0x52: {  	[tilespmem:$0x4F8] =	vst v0  }
0x53: {  	[tilespmem:$0x508] =	vst v0  }
0x54: {  	[tilespmem:$0x518] =	vst v0  }
0x55: {  	[tilespmem:$0x528] =	vst v0  }
0x56: {  	[tilespmem:$0x538] =	vst v0  }
0x57: {  	[tilespmem:$0x548] =	vst v0  }
0x58: {  	[tilespmem:$0x558] =	vst v0  }
0x59: {  	[tilespmem:$0x568] =	vst v0  }
0x5a: {  	[tilespmem:$0x578] =	vst v0  }
0x5b: {  	[tilespmem:$0x588] =	vst v0  }
0x5c: {  	[tilespmem:$0x598] =	vst v0  }
0x5d: {  	[tilespmem:$0x5A8] =	vst v0  }
0x5e: {  	[tilespmem:$0x5B8] =	vst v0  }
0x5f: {  	[tilespmem:$0x5C8] =	vst v0  }
0x60: {  	[tilespmem:$0x5D8] =	vst v0  }
0x61: {  	[tilespmem:$0x5E8] =	vst v0  }
0x62: {  	[tilespmem:$0x5F8] =	vst v0  }
0x63: {  	[tilespmem:$0x608] =	vst v0  }
0x64: {  	[tilespmem:$0x618] =	vst v0  }
0x65: {  	[tilespmem:$0x628] =	vst v0  }
0x66: {  	[tilespmem:$0x638] =	vst v0  }
0x67: {  	[tilespmem:$0x648] =	vst v0  }
0x68: {  	[tilespmem:$0x658] =	vst v0  }
0x69: {  	[tilespmem:$0x668] =	vst v0  }
0x6a: {  	[tilespmem:$0x678] =	vst v0  }
0x6b: {  	[tilespmem:$0x688] =	vst v0  }
0x6c: {  	[tilespmem:$0x698] =	vst v0  }
0x6d: {  	[tilespmem:$0x6A8] =	vst v0  }
0x6e: {  	[tilespmem:$0x6B8] =	vst v0  }
0x6f: {  	[tilespmem:$0x6C8] =	vst v0  }
0x70: {  	[tilespmem:$0x6D8] =	vst v0  }
0x71: {  	[tilespmem:$0x6E8] =	vst v0  }
0x72: {  	[tilespmem:$0x6F8] =	vst v0  }
0x73: {  	[tilespmem:$0x708] =	vst v0  }
0x74: {  	[tilespmem:$0x718] =	vst v0  }
0x75: {  	[tilespmem:$0x728] =	vst v0  }
0x76: {  	[tilespmem:$0x738] =	vst v0  }
0x77: {  	[tilespmem:$0x748] =	vst v0  }
0x78: {  	[tilespmem:$0x758] =	vst v0  }
0x79: {  	[tilespmem:$0x768] =	vst v0  }
0x7a: {  	[tilespmem:$0x778] =	vst v0  }
0x7b: {  	[tilespmem:$0x788] =	vst v0  }
0x7c: {  	[tilespmem:$0x798] =	vst v0  }
0x7d: {  	[tilespmem:$0x7A8] =	vst v0  }
0x7e: {  	[tilespmem:$0x7B8] =	vst v0  }
0x7f: {  	[tilespmem:$0x7C8] =	vst v0  }
0x80: {  	[tilespmem:$0x7D8] =	vst v0  }
0x81: {  	[tilespmem:$0x7E8] =	vst v0  }
0x82: {  	[tilespmem:$0x7F8] =	vst v0  }
0x83: {  	[tilespmem:$0x808] =	vst v0  }
0x84: {  	[tilespmem:$0x818] =	vst v0  }
0x85: {  	[tilespmem:$0x828] =	vst v0  }
0x86: {  	[tilespmem:$0x838] =	vst v0  }
0x87: {  	[tilespmem:$0x848] =	vst v0  }
0x88: {  	[tilespmem:$0x858] =	vst v0  }
0x89: {  	[tilespmem:$0x868] =	vst v0  }
0x8a: {  	[tilespmem:$0x878] =	vst v0  }
0x8b: {  	[tilespmem:$0x888] =	vst v0  }
0x8c: {  	[tilespmem:$0x898] =	vst v0  }
0x8d: {  	[tilespmem:$0x8A8] =	vst v0  }
0x8e: {  	[tilespmem:$0x8B8] =	vst v0  }
0x8f: {  	[tilespmem:$0x8C8] =	vst v0  }
0x90: {  	[tilespmem:$0x8D8] =	vst v0  }
0x91: {  	[tilespmem:$0x8E8] =	vst v0  }
0x92: {  	[tilespmem:$0x8F8] =	vst v0  }
0x93: {  	[tilespmem:$0x908] =	vst v0  }
0x94: {  	[tilespmem:$0x918] =	vst v0  }
0x95: {  	[tilespmem:$0x928] =	vst v0  }
0x96: {  	[tilespmem:$0x938] =	vst v0  }
0x97: {  	[tilespmem:$0x948] =	vst v0  }
0x98: {  	[tilespmem:$0x958] =	vst v0  }
0x99: {  	[tilespmem:$0x968] =	vst v0  }
0x9a: {  	[tilespmem:$0x978] =	vst v0  }
0x9b: {  	[tilespmem:$0x988] =	vst v0  }
0x9c: {  	[tilespmem:$0x998] =	vst v0  }
0x9d: {  	[tilespmem:$0x9A8] =	vst v0  }
0x9e: {  	[tilespmem:$0x9B8] =	vst v0  }
0x9f: {  	[tilespmem:$0x9C8] =	vst v0  }
0xa0: {  	[tilespmem:$0x9D8] =	vst v0  }
0xa1: {  	[tilespmem:$0x9E8] =	vst v0  }
0xa2: {  	[tilespmem:$0x9F8] =	vst v0  }
0xa3: {  	[tilespmem:$0xA08] =	vst v0  }
0xa4: {  	[tilespmem:$0xA18] =	vst v0  }
0xa5: {  	[tilespmem:$0xA28] =	vst v0  }
0xa6: {  	[tilespmem:$0xA38] =	vst v0  }
0xa7: {  	[tilespmem:$0xA48] =	vst v0  }
0xa8: {  	[tilespmem:$0xA58] =	vst v0  }
0xa9: {  	[tilespmem:$0xA68] =	vst v0  }
0xaa: {  	[tilespmem:$0xA78] =	vst v0  }
0xab: {  	[tilespmem:$0xA88] =	vst v0  }
0xac: {  	[tilespmem:$0xA98] =	vst v0  }
0xad: {  	[tilespmem:$0xAA8] =	vst v0  }
0xae: {  	[tilespmem:$0xAB8] =	vst v0  }
0xaf: {  	[tilespmem:$0xAC8] =	vst v0  }
0xb0: {  	[tilespmem:$0xAD8] =	vst v0  }
0xb1: {  	[tilespmem:$0xAE8] =	vst v0  }
0xb2: {  	[tilespmem:$0xAF8] =	vst v0  }
0xb3: {  	[tilespmem:$0xB08] =	vst v0  }
0xb4: {  	[tilespmem:$0xB18] =	vst v0  }
0xb5: {  	[tilespmem:$0xB28] =	vst v0  }
0xb6: {  	[tilespmem:$0xB38] =	vst v0  }
0xb7: {  	[tilespmem:$0xB48] =	vst v0  }
0xb8: {  	[tilespmem:$0xB58] =	vst v0  }
0xb9: {  	[tilespmem:$0xB68] =	vst v0  }
0xba: {  	[tilespmem:$0xB78] =	vst v0  }
0xbb: {  	[tilespmem:$0xB88] =	vst v0  }
0xbc: {  	[tilespmem:$0xB98] =	vst v0  }
0xbd: {  	[tilespmem:$0xBA8] =	vst v0  }
0xbe: {  	[tilespmem:$0xBB8] =	vst v0  }
0xbf: {  	[tilespmem:$0xBC8] =	vst v0  }
0xc0: {  	[tilespmem:$0xBD8] =	vst v0  }
0xc1: {  	[tilespmem:$0xBE8] =	vst v0  }
0xc2: {  	[tilespmem:$0xBF8] =	vst v0  }
0xc3: {  	[tilespmem:$0xC08] =	vst v0  }
0xc4: {  	[tilespmem:$0xC18] =	vst v0  }
0xc5: {  	[tilespmem:$0xC28] =	vst v0  }
0xc6: {  	[tilespmem:$0xC38] =	vst v0  }
0xc7: {  	[tilespmem:$0xC48] =	vst v0  }
0xc8: {  	[tilespmem:$0xC58] =	vst v0  }
0xc9: {  	[tilespmem:$0xC68] =	vst v0  }
0xca: {  	[tilespmem:$0xC78] =	vst v0  }
0xcb: {  	[tilespmem:$0xC88] =	vst v0  }
0xcc: {  	[tilespmem:$0xC98] =	vst v0  }
0xcd: {  	[tilespmem:$0xCA8] =	vst v0  }
0xce: {  	[tilespmem:$0xCB8] =	vst v0  }
0xcf: {  	[tilespmem:$0xCC8] =	vst v0  }
0xd0: {  	[tilespmem:$0xCD8] =	vst v0  }
0xd1: {  	[tilespmem:$0xCE8] =	vst v0  }
0xd2: {  	[tilespmem:$0xCF8] =	vst v0  }
0xd3: {  	[tilespmem:$0xD08] =	vst v0  }
0xd4: {  	[tilespmem:$0xD18] =	vst v0  }
0xd5: {  	[tilespmem:$0xD28] =	vst v0  }
0xd6: {  	[tilespmem:$0xD38] =	vst v0  }
0xd7: {  	[tilespmem:$0xD48] =	vst v0  }
0xd8: {  	[tilespmem:$0xD58] =	vst v0  }
0xd9: {  	[tilespmem:$0xD68] =	vst v0  }
0xda: {  	[tilespmem:$0xD78] =	vst v0  }
0xdb: {  	[tilespmem:$0xD88] =	vst v0  }
0xdc: {  	[tilespmem:$0xD98] =	vst v0  }
0xdd: {  	[tilespmem:$0xDA8] =	vst v0  }
0xde: {  	[tilespmem:$0xDB8] =	vst v0  }
0xdf: {  	[tilespmem:$0xDC8] =	vst v0  }
0xe0: {  	[tilespmem:$0xDD8] =	vst v0  }
0xe1: {  	[tilespmem:$0xDE8] =	vst v0  }
0xe2: {  	[tilespmem:$0xDF8] =	vst v0  }
0xe3: {  	[tilespmem:$0xE08] =	vst v0  }
0xe4: {  	[tilespmem:$0xE18] =	vst v0  }
0xe5: {  	[tilespmem:$0xE28] =	vst v0  }
0xe6: {  	[tilespmem:$0xE38] =	vst v0  }
0xe7: {  	[tilespmem:$0xE48] =	vst v0  }
0xe8: {  	[tilespmem:$0xE58] =	vst v0  }
0xe9: {  	[tilespmem:$0xE68] =	vst v0  }
0xea: {  	[tilespmem:$0xE78] =	vst v0  }
0xeb: {  	[tilespmem:$0xE88] =	vst v0  }
0xec: {  	[tilespmem:$0xE98] =	vst v0  }
0xed: {  	[tilespmem:$0xEA8] =	vst v0  }
0xee: {  	[tilespmem:$0xEB8] =	vst v0  }
0xef: {  	[tilespmem:$0xEC8] =	vst v0  }
0xf0: {  	[tilespmem:$0xED8] =	vst v0  }
0xf1: {  	[tilespmem:$0xEE8] =	vst v0  }
0xf2: {  	[tilespmem:$0xEF8] =	vst v0  }
0xf3: {  	[tilespmem:$0xF08] =	vst v0  }
0xf4: {  	[tilespmem:$0xF18] =	vst v0  }
0xf5: {  	[tilespmem:$0xF28] =	vst v0  }
0xf6: {  	[tilespmem:$0xF38] =	vst v0  }
0xf7: {  	[tilespmem:$0xF48] =	vst v0  }
0xf8: {  	[tilespmem:$0xF58] =	vst v0  }
0xf9: {  	[tilespmem:$0xF68] =	vst v0  }
0xfa: {  	[tilespmem:$0xF78] =	vst v0  }
0xfb: {  	[tilespmem:$0xF88] =	vst v0  }
0xfc: {  	[tilespmem:$0xF98] =	vst v0  }
0xfd: {  	[tilespmem:$0xFA8] =	vst v0  }
0xfe: {  	[tilespmem:$0xFB8] =	vst v0  }
0xff: {  	[tilespmem:$0xFC8] =	vst v0  }
0x100: {  	[tilespmem:$0xFD8] =	vst v0  }
0x101: {  	[tilespmem:$0xFE8] =	vst v0  }
0x102: {  	[tilespmem:$0xFF8] =	vst v0  }
0x103: {  	[tilespmem:$0x1028] =	vst v0  }
0x104: {  	[tilespmem:$0x10E8] =	vst v0  }
0x105: {  	[tilespmem:$0x1068] =	vst v0  }
0x106: {  	[tilespmem:$0x1058] =	vst v0  }
0x107: {  	[tilespmem:$0x1B28] =	vst v0  }
0x108: {  	[tilespmem:$0x1B18] =	vst v0  }
0x109: {  	[tilespmem:$0x1B08] =	vst v0  }
0x10a: {  	[tilespmem:$0x1AF8] =	vst v0  }
0x10b: {  	[tilespmem:$0x1AE8] =	vst v0  }
0x10c: {  	[tilespmem:$0x1AD8] =	vst v0  }
0x10d: {  	[tilespmem:$0x1AC8] =	vst v0  }
0x10e: {  	[tilespmem:$0x1AB8] =	vst v0  }
0x10f: {  	[tilespmem:$0x1AA8] =	vst v0  }
0x110: {  	[tilespmem:$0x1A98] =	vst v0  }
0x111: {  	[tilespmem:$0x1A88] =	vst v0  }
0x112: {  	[tilespmem:$0x1A78] =	vst v0  }
0x113: {  	[tilespmem:$0x1A68] =	vst v0  }
0x114: {  	[tilespmem:$0x1A58] =	vst v0  }
0x115: {  	[tilespmem:$0x1A48] =	vst v0  }
0x116: {  	[tilespmem:$0x1A38] =	vst v0  }
0x117: {  	[tilespmem:$0x1A28] =	vst v0  }
0x118: {  	[tilespmem:$0x1A18] =	vst v0  }
0x119: {  	[tilespmem:$0x1A08] =	vst v0  }
0x11a: {  	[tilespmem:$0x19F8] =	vst v0  }
0x11b: {  	[tilespmem:$0x19E8] =	vst v0  }
0x11c: {  	[tilespmem:$0x19D8] =	vst v0  }
0x11d: {  	[tilespmem:$0x19C8] =	vst v0  }
0x11e: {  	[tilespmem:$0x19B8] =	vst v0  }
0x11f: {  	[tilespmem:$0x19A8] =	vst v0  }
0x120: {  	[tilespmem:$0x1998] =	vst v0  }
0x121: {  	[tilespmem:$0x1988] =	vst v0  }
0x122: {  	[tilespmem:$0x1978] =	vst v0  }
0x123: {  	[tilespmem:$0x1968] =	vst v0  }
0x124: {  	[tilespmem:$0x1958] =	vst v0  }
0x125: {  	[tilespmem:$0x1948] =	vst v0  }
0x126: {  	[tilespmem:$0x1938] =	vst v0  }
0x127: {  	[tilespmem:$0x1928] =	vst v0  }
0x128: {  	[tilespmem:$0x1918] =	vst v0  }
0x129: {  	[tilespmem:$0x1908] =	vst v0  }
0x12a: {  	[tilespmem:$0x18F8] =	vst v0  }
0x12b: {  	[tilespmem:$0x18E8] =	vst v0  }
0x12c: {  	[tilespmem:$0x18D8] =	vst v0  }
0x12d: {  	[tilespmem:$0x18C8] =	vst v0  }
0x12e: {  	[tilespmem:$0x18B8] =	vst v0  }
0x12f: {  	[tilespmem:$0x18A8] =	vst v0  }
0x130: {  	[tilespmem:$0x1898] =	vst v0  }
0x131: {  	[tilespmem:$0x1888] =	vst v0  }
0x132: {  	[tilespmem:$0x1878] =	vst v0  }
0x133: {  	[tilespmem:$0x1868] =	vst v0  }
0x134: {  	[tilespmem:$0x1858] =	vst v0  }
0x135: {  	[tilespmem:$0x1848] =	vst v0  }
0x136: {  	[tilespmem:$0x1838] =	vst v0  }
0x137: {  	[tilespmem:$0x1828] =	vst v0  }
0x138: {  	[tilespmem:$0x1818] =	vst v0  }
0x139: {  	[tilespmem:$0x1808] =	vst v0  }
0x13a: {  	[tilespmem:$0x17F8] =	vst v0  }
0x13b: {  	[tilespmem:$0x17E8] =	vst v0  }
0x13c: {  	[tilespmem:$0x17D8] =	vst v0  }
0x13d: {  	[tilespmem:$0x17C8] =	vst v0  }
0x13e: {  	[tilespmem:$0x17B8] =	vst v0  }
0x13f: {  	[tilespmem:$0x17A8] =	vst v0  }
0x140: {  	[tilespmem:$0x1798] =	vst v0  }
0x141: {  	[tilespmem:$0x1788] =	vst v0  }
0x142: {  	[tilespmem:$0x1778] =	vst v0  }
0x143: {  	[tilespmem:$0x1768] =	vst v0  }
0x144: {  	[tilespmem:$0x1758] =	vst v0  }
0x145: {  	[tilespmem:$0x1748] =	vst v0  }
0x146: {  	[tilespmem:$0x1738] =	vst v0  }
0x147: {  	[tilespmem:$0x1728] =	vst v0  }
0x148: {  	[tilespmem:$0x1718] =	vst v0  }
0x149: {  	[tilespmem:$0x1708] =	vst v0  }
0x14a: {  	[tilespmem:$0x16F8] =	vst v0  }
0x14b: {  	[tilespmem:$0x16E8] =	vst v0  }
0x14c: {  	[tilespmem:$0x16D8] =	vst v0  }
0x14d: {  	[tilespmem:$0x16C8] =	vst v0  }
0x14e: {  	[tilespmem:$0x16B8] =	vst v0  }
0x14f: {  	[tilespmem:$0x16A8] =	vst v0  }
0x150: {  	[tilespmem:$0x1698] =	vst v0  }
0x151: {  	[tilespmem:$0x1688] =	vst v0  }
0x152: {  	[tilespmem:$0x1678] =	vst v0  }
0x153: {  	[tilespmem:$0x1668] =	vst v0  }
0x154: {  	[tilespmem:$0x1658] =	vst v0  }
0x155: {  	[tilespmem:$0x1648] =	vst v0  }
0x156: {  	[tilespmem:$0x1638] =	vst v0  }
0x157: {  	[tilespmem:$0x1628] =	vst v0  }
0x158: {  	[tilespmem:$0x1618] =	vst v0  }
0x159: {  	[tilespmem:$0x1608] =	vst v0  }
0x15a: {  	[tilespmem:$0x15F8] =	vst v0  }
0x15b: {  	[tilespmem:$0x15E8] =	vst v0  }
0x15c: {  	[tilespmem:$0x15D8] =	vst v0  }
0x15d: {  	[tilespmem:$0x15C8] =	vst v0  }
0x15e: {  	[tilespmem:$0x15B8] =	vst v0  }
0x15f: {  	[tilespmem:$0x15A8] =	vst v0  }
0x160: {  	[tilespmem:$0x1598] =	vst v0  }
0x161: {  	[tilespmem:$0x1588] =	vst v0  }
0x162: {  	[tilespmem:$0x1578] =	vst v0  }
0x163: {  	[tilespmem:$0x1568] =	vst v0  }
0x164: {  	[tilespmem:$0x1558] =	vst v0  }
0x165: {  	[tilespmem:$0x1548] =	vst v0  }
0x166: {  	[tilespmem:$0x1538] =	vst v0  }
0x167: {  	[tilespmem:$0x1528] =	vst v0  }
0x168: {  	[tilespmem:$0x1518] =	vst v0  }
0x169: {  	[tilespmem:$0x1508] =	vst v0  }
0x16a: {  	[tilespmem:$0x14F8] =	vst v0  }
0x16b: {  	[tilespmem:$0x14E8] =	vst v0  }
0x16c: {  	[tilespmem:$0x14D8] =	vst v0  }
0x16d: {  	[tilespmem:$0x14C8] =	vst v0  }
0x16e: {  	[tilespmem:$0x14B8] =	vst v0  }
0x16f: {  	[tilespmem:$0x14A8] =	vst v0  }
0x170: {  	[tilespmem:$0x1498] =	vst v0  }
0x171: {  	[tilespmem:$0x1488] =	vst v0  }
0x172: {  	[tilespmem:$0x1478] =	vst v0  }
0x173: {  	[tilespmem:$0x1468] =	vst v0  }
0x174: {  	[tilespmem:$0x1458] =	vst v0  }
0x175: {  	[tilespmem:$0x1448] =	vst v0  }
0x176: {  	[tilespmem:$0x1438] =	vst v0  }
0x177: {  	[tilespmem:$0x1428] =	vst v0  }
0x178: {  	[tilespmem:$0x1418] =	vst v0  }
0x179: {  	[tilespmem:$0x1408] =	vst v0  }
0x17a: {  	[tilespmem:$0x13F8] =	vst v0  }
0x17b: {  	[tilespmem:$0x13E8] =	vst v0  }
0x17c: {  	[tilespmem:$0x13D8] =	vst v0  }
0x17d: {  	[tilespmem:$0x13C8] =	vst v0  }
0x17e: {  	[tilespmem:$0x13B8] =	vst v0  }
0x17f: {  	[tilespmem:$0x13A8] =	vst v0  }
0x180: {  	[tilespmem:$0x1398] =	vst v0  }
0x181: {  	[tilespmem:$0x1388] =	vst v0  }
0x182: {  	[tilespmem:$0x1378] =	vst v0  }
0x183: {  	[tilespmem:$0x1368] =	vst v0  }
0x184: {  	[tilespmem:$0x1358] =	vst v0  }
0x185: {  	[tilespmem:$0x1348] =	vst v0  }
0x186: {  	[tilespmem:$0x1338] =	vst v0  }
0x187: {  	[tilespmem:$0x1328] =	vst v0  }
0x188: {  	[tilespmem:$0x1318] =	vst v0  }
0x189: {  	[tilespmem:$0x1308] =	vst v0  }
0x18a: {  	[tilespmem:$0x12F8] =	vst v0  }
0x18b: {  	[tilespmem:$0x12E8] =	vst v0  }
0x18c: {  	[tilespmem:$0x12D8] =	vst v0  }
0x18d: {  	[tilespmem:$0x12C8] =	vst v0  }
0x18e: {  	[tilespmem:$0x12B8] =	vst v0  }
0x18f: {  	[tilespmem:$0x12A8] =	vst v0  }
0x190: {  	[tilespmem:$0x1298] =	vst v0  }
0x191: {  	[tilespmem:$0x1288] =	vst v0  }
0x192: {  	[tilespmem:$0x1278] =	vst v0  }
0x193: {  	[tilespmem:$0x1268] =	vst v0  }
0x194: {  	[tilespmem:$0x1258] =	vst v0  }
0x195: {  	[tilespmem:$0x1248] =	vst v0  }
0x196: {  	[tilespmem:$0x1238] =	vst v0  }
0x197: {  	[tilespmem:$0x1228] =	vst v0  }
0x198: {  	[tilespmem:$0x1218] =	vst v0  }
0x199: {  	[tilespmem:$0x1208] =	vst v0  }
0x19a: {  	[tilespmem:$0x11F8] =	vst v0  }
0x19b: {  	[tilespmem:$0x11E8] =	vst v0  }
0x19c: {  	[tilespmem:$0x11D8] =	vst v0  }
0x19d: {  	[tilespmem:$0x11C8] =	vst v0  }
0x19e: {  	[tilespmem:$0x11B8] =	vst v0  }
0x19f: {  	[tilespmem:$0x11A8] =	vst v0  }
0x1a0: {  	[tilespmem:$0x1198] =	vst v0  }
0x1a1: {  	[tilespmem:$0x1188] =	vst v0  }
0x1a2: {  	[tilespmem:$0x1178] =	vst v0  }
0x1a3: {  	[tilespmem:$0x1168] =	vst v0  }
0x1a4: {  	[tilespmem:$0x1158] =	vst v0  }
0x1a5: {  	[tilespmem:$0x1148] =	vst v0  }
0x1a6: {  	[tilespmem:$0x1138] =	vst v0  }
0x1a7: {  	s4 =	stileid.u32;
	[tilespmem:$0x1128] =	vst v0  }
0x1a8: {  	s0 =	smul.u32 $0x17, s4;
	[tilespmem:$0x1118] =	vst v0  }
0x1a9: {  	s2 =	smin.u32 s4, $0x3;
	[tilespmem:$0x1108] =	vst v0  }
0x1aa: {  	[tilespmem:$0x10F8] =	vst v0;
	s0 =	sadd.s32 s2, s0  }
0x1ab: {  	p0 =	slt.u32 s4, $0x3;
	[tilespmem:$0x10C8] =	vst v0;
	s2 =	simm.s32 $0x2880;
	s6 =	smul.u32 $0x1B0, s0  }
0x1ac: {  	s2 =	simm.s32 @!p0 $0x26D0;
	[tilespmem:$0x10D8] =	vst v0  }
0x1ad: {  	[tilespmem:$0x10B8] =	vst v0;
	s0 =	sadd.s32 s2, s6  }
0x1ae: {  	s5 =	simm.s32 $0x2;
	[tilespmem:$0x1038] =	vst v0;
	s7 =	smin.u32 s0, $0x27100  }
0x1af: {  	s8 =	simm.s32 $0x9;
	s10 =	simm.s32 $0xA;
	[tilespmem:$0x10A8] =	vst v0;
	s0 =	ssub.s32 s7, s6  }
0x1b0: {  	s30 =	simm.s32 $0xB;
	s16 =	simm.s32 $0x0;
	[tilespmem:$0x1098] =	vst v0;
	p0 =	sgt.s32 s0, $0x0  }
0x1b1: {  	p4 =	por $0x0, $0x0;
	s17 =	simm.s32 $0xC;
	[tilespmem:$0x1088] =	vst v0;
	s0 =	simm.s32 @!p0 $0x0  }
0x1b2: {  	s21 =	simm.s32 $0x0;
	s18 =	simm.s32 $0x0;
	[tilespmem:$0x1078] =	vst v0;
	s28 =	smulhi.u32 $0x4BDA12F7, s0  }
0x1b3: {  	s20 =	simm.s32 $0x0;
	s3 =	sand.u32 $0x1, s3;
	s31 =	sshll.u32 s4, $0x5;
	[tilespmem:$0x1048] =	vst v0  }
0x1b4: {  	s2 =	sshrl.u32 s28, $0x7;
	[tilespmem:$0x1018] =	vst v0;
	[dreg:$0x6] =	wrdreg s3;
	s3 =	smul.u32 $0x4E20, s3  }
0x1b5: {  	[tilespmem:$0x1008] =	vst v0;
	[sflag:s5] =	ssyncpa.u1 $0x0;
	v0 =	vimm.s32 $0xFFFFFFFF;
	[dreg:$0x5] =	wrdreg s31;
	s29 =	smul.u32 $0x1B0, s2  }
.Ltmp0:
0x1b6: {  	[tilespmem:$0x3648] =	vst v0;
	[sflag:s8] =	ssyncpa.u1 $0x0;
	s3 =	sadd.s32 s3, s11;
	(pc) =	sbr.rel .LBB2_1-.Ltmp0, $4  }
0x1b7: {  	[sflag:s10] =	ssyncpa.u1 $0x0;
	s11 =	sadd.s32 $0x35D5600, s11;
	p0 =	sne.s32 s0, s29  }
0x1b8: {  	[sflag:s30] =	ssyncpa.u1 $0x0;
	s14 =	sadd.s32 $0xB600, s3;
	s12 =	simm.s32 @!p0 $0x0  }
0x1b9: {  	s15 =	sadd.s32 $0x1800, s3;
	s19 =	smov.u32 s6;
	s12 =	sadd.s32 s12, s2  }
0x1ba: {  	v0 =	vlaneseq.u32;
	[dreg:$0x7] =	wrdreg s6;
	p0 =	por $0x1, $0x1;
	s4 =	sadd.s32 $0x1, s12  }
.LBB2_18:
0x1bb: {  	s0 =	simm.s32 $0x2  }
0x1bc: {  	_ =	swait.ge [sflag:s0], $0x0  }
0x1bd: {  	[sflag:s0] =	ssyncset.done $0x0;
	s0 =	simm.s32 $0x0  }
.LBB2_19:
0x1be: {  	_ =	swait.ge [sflag:s17], s0  }
0x1bf: {  	s31 =	ssub.s32 $0x0, s0;
	v1 =	vmov s23;
	vm0 =	veq.s32 v0, $0x0;
	[sflag:s17] =	ssyncset.done $0x0  }
0x1c0: {  	vm15 =	veq.s32 v0, $0x2;
	v1 =	vsel vm0, s28, v1;
	[sflag:s17] =	ssyncadd.s32 s31  }
0x1c1: {  	v1 =	vsel vm15, s21, v1;
	[sflag:s17] =	ssyncpa.u1 $0x1  }
0x1c2: {  	[tilespmem:$0x3648] =	vst v1  }
.LBB2_20:
0x1c3: {  	s0 =	sadd.s32 $0x1B0, s19  }
0x1c4: {  	s2 =	smov.u32 s6;
	p1 =	slt.s32 s0, s7  }
0x1c5: {  	s2 =	smov.u32 @p1 s0;
	p1 =	sne.s32 s20, s4  }
.Ltmp1:
0x1c6: {  	_ = 	snop;
	(pc) =	sbr.rel @!p1 .LBB2_21-.Ltmp1, $4  }
0x1c7: {  	_ = 	snop  }
0x1c8: {  	s21 =	smov.u32 s18  }
0x1c9: {  	s31 =	sadd.s32 $0x1, s20;
	s18 =	smov.u32 s19;
	p0 =	por !p0, !p0  }
0x1ca: {  	p4 =	por !p4, !p4;
	s20 =	smov.u32 s31;
	s19 =	smov.u32 s2  }
.LBB2_1:
0x1cb: {  	p2 =	sge.u32 s20, s12  }
0x1cc: {  	s0 =	smulhi.u32 @!p2 $0xAAAAAAAB, s20  }
0x1cd: {  	s2 =	smov.u32 s19;
	p3 =	sgt.s32 @!p2 s19, $0x26F50  }
0x1ce: {  	s3 =	sshra.s32 @!p2 s19, $0x1F;
	p3 =	por !p3, p2;
	s0 =	sshrl.u32 @!p2 s0, $0x1  }
0x1cf: {  	s3 =	sand.u32 @!p2 s3, s19;
	s2 =	simm.s32 @p3 $0x26F50;
	s0 =	smul.u32 @!p2 $0x3, s0  }
0x1d0: {  	s2 =	ssub.s32 @!p2 s2, s3  }
0x1d1: {  	s23 =	sadd.s32 $0xFFFFFFFF, s20;
	s2 =	sadd.s32 @!p2 $0xFFFD90B0, s2;
	s0 =	ssub.s32 @!p2 s20, s0  }
0x1d2: {  	s3 =	sshll.u32 @!p2 s2, $0x2;
	p3 =	sgt.s32 @!p2 s2, $0x1AF;
	s0 =	smul.u32 @!p2 $0x6C0, s0  }
0x1d3: {  	s5 =	sand.u32 @!p2 $0x7, s19;
	s2 =	ssub.s32 @!p2 $0x6C0, s3;
	p3 =	por !p3, p2  }
0x1d4: {  	s3 =	sshrl.u32 @!p2 s19, $0x3;
	s2 =	sshrl.u32 @!p2 s2, $0x2;
	s0 =	sshrl.u32 @!p2 s0, $0x2  }
0x1d5: {  	s3 =	sadd.s32 @!p2 s3, s14;
	s2 =	simm.s32 @!p3 $0x0;
	s0 =	sadd.s32 @!p2 $0x3888, s0  }
0x1d6: {  	[tilespmem:s0], [sflag:$0xA] =	stream.linear.gather @!p2 [hbm4b:s3+s5], s2, $0x38;
	[tilespmem:$0x1F0F8] =	vst v63  }
0x1d7: {  	p2 =	sge.u32 s23, s12  }
0x1d8: {  	p3 =	sgt.s32 @!p2 s18, $0x26F50  }
0x1d9: {  	s0 =	smov.u32 s18;
	s2 =	sshra.s32 @!p2 s18, $0x1F;
	p3 =	por !p3, p2  }
0x1da: {  	s2 =	sand.u32 @!p2 s2, s18;
	s0 =	simm.s32 @p3 $0x26F50  }
0x1db: {  	s0 =	ssub.s32 @!p2 s0, s2  }
0x1dc: {  	s0 =	sadd.s32 @!p2 $0xFFFD90B0, s0  }
0x1dd: {  	s2 =	sshll.u32 @!p2 s0, $0x2  }
0x1de: {  	p3 =	sgt.s32 @!p2 s0, $0x1AF;
	s0 =	ssub.s32 @!p2 $0x6C0, s2  }
0x1df: {  	s22 =	ssub.s32 @!p2 $0x27100, s18;
	p3 =	por !p3, p2;
	s0 =	sshrl.u32 @!p2 s0, $0x2  }
0x1e0: {  	s2 =	sand.u32 @!p2 $0x1, s23;
	s0 =	simm.s32 @!p3 $0x0;
	p3 =	slt.s32 @!p2 s22, $0x1  }
0x1e1: {  	s3 =	simm.s32 @!p2 $0xA;
	s2 =	smul.u32 @!p2 $0x6C0, s2;
	p3 =	por p2, p3  }
.Ltmp2:
0x1e2: {  	_ =	swait.ge @!p2 [sflag:s3], s0;
	(pc) =	sbr.rel @p3 .LBB2_7-.Ltmp2, $4  }
0x1e3: {  	s5 =	ssub.s32 @!p2 $0x0, s0;
	[sflag:s3] =	ssyncset.done @!p2 $0x0  }
0x1e4: {  	s2 =	sshrl.u32 @!p2 s2, $0x2;
	[sflag:s3] =	ssyncadd.s32 @!p2 s5;
	s3 =	sshrl.u32 @!p2 s18, $0x3  }
0x1e5: {  	s2 =	sadd.s32 @!p2 $0x3D98, s2;
	s5 =	sand.u32 @!p2 $0x7, s18;
	s3 =	sadd.s32 @!p2 s3, s15  }
0x1e6: {  	[tilespmem:s2], [sflag:$0xB] =	stream.linear.gather @!p2 [hbm4b:s3+s5], s0, $0x38;
	[tilespmem:$0x1F0F8] =	vst v63  }
0x1e7: {  	s0 =	smulhi.u32 $0xAAAAAAAB, s23;
	_ =	sdelay $0x1  }
0x1e8: {  	s0 =	sshrl.u32 s0, $0x1  }
0x1e9: {  	s0 =	smul.u32 $0x3, s0;
	_ =	sdelay $0x1  }
0x1ea: {  	s0 =	ssub.s32 s23, s0  }
0x1eb: {  	s2 =	simm.s32 $0x1;
	s0 =	smul.u32 $0x6C0, s0  }
.Ltmp3:
0x1ec: {  	s2 =	simm.s32 @!p0 $0x0;
	(pc) =	sbr.rel .LBB2_4-.Ltmp3, $4  }
0x1ed: {  	s2 =	smul.u32 $0x36000, s2  }
0x1ee: {  	p3 =	slt.s32 @!p2 s22, $0x1B0;
	s0 =	sshrl.u32 s0, $0x2  }
0x1ef: {  	p2 =	por !p3, p2;
	s2 =	sshrl.u32 s2, $0x2;
	s0 =	sadd.s32 $0x3888, s0  }
0x1f0: {  	s24 =	simm.s32 $0x0;
	s22 =	simm.s32 @p2 $0x1B0;
	s23 =	sadd.s32 $0x40F8, s2;
	v1 =	vmov s0  }
.LBB2_3:
0x1f1: {  	p2 =	sge.s32 s24, s22  }
.Ltmp4:
0x1f2: {  	_ = 	snop;
	(pc) =	sbr.rel @p2 .LBB2_7-.Ltmp4, $2  }
0x1f3: {  	_ =	sdelay $0x2  }
0x1f4: {  	s23 =	sadd.s32 $0x800, s23  }
.LBB2_4:
0x1f5: {  	p2 =	sle.s32 s22, s24  }
.Ltmp5:
0x1f6: {  	_ = 	snop;
	(pc) =	sbr.rel @p2 .LBB2_3-.Ltmp5, $2  }
0x1f7: {  	_ =	sdelay $0x2  }
0x1f8: {  	s0 =	smov.u32 s24;
	s24 =	sadd.s32 $0x10, s24  }
0x1f9: {  	s2 =	ssub.s32 s22, s0  }
0x1fa: {  	p2 =	slt.s32 s2, $0x10  }
0x1fb: {  	s2 =	simm.s32 @!p2 $0x10  }
0x1fc: {  	v2 =	vmov s2  }
0x1fd: {  	vm0 =	vgt.s32 v2, v0;
	_ =	sdelay $0x5  }
0x1fe: {  	v2 =	vld.idx.msk [tilespmem:v1+s0+$0x0 ss:$0x1], vm0;
	_ =	sdelay $0x2  }
0x1ff: {  	p2 =	slt.s32 s24, s22;
	s2 =	smov.u32 s22  }
0x200: {  	s3 =	smov.u32 s23;
	s25 =	simm.s32 $0x0;
	s2 =	smov.u32 @p2 s24  }
.LBB2_6:
0x201: {  	(v2sf) =	vpush v2, s25;
	_ =	sdelay $0xc  }
0x202: {  	s25 =	sadd.s32 $0x1, s25  }
0x203: {  	s31 =	sadd.s32 s25, s0  }
0x204: {  	p2 =	slt.s32 s31, s2;
	s5 =	spop (v2sf)  }
.Ltmp6:
0x205: {  	s5 =	sshll.u32 s5, $0x4;
	(pc) =	sbr.rel @p2 .LBB2_6-.Ltmp6, $4  }
0x206: {  	s5 =	sand.u32 $0x1FFFFFF0, s5  }
0x207: {  	s5 =	sadd.s32 s11, s5  }
0x208: {  	[tilespmem:s3], [sflag:$0x9] =	stream.linear.gather [hbm4b:s5+s16], $0x8, $0x38;
	[tilespmem:$0x1F0F8] =	vst v63  }
0x209: {  	s3 =	sadd.s32 $0x80, s3  }
.Ltmp7:
0x20a: {  	_ = 	snop;
	(pc) =	sbr.rel .LBB2_3-.Ltmp7, $1  }
0x20b: {  	_ =	sdelay $0x3  }
.LBB2_7:
0x20c: {  	p2 =	slt.u32 s20, $0x2  }
.Ltmp8:
0x20d: {  	_ = 	snop;
	(pc) =	sbr.rel @p2 .LBB2_20-.Ltmp8, $1  }
0x20e: {  	_ =	sdelay $0x3  }
0x20f: {  	p2 =	sgt.s32 s21, $0x26F50  }
0x210: {  	s0 =	smov.u32 s21;
	s2 =	sshra.s32 s21, $0x1F;
	s3 =	ssub.s32 $0x27100, s21  }
0x211: {  	s0 =	simm.s32 @!p2 $0x26F50;
	s2 =	sand.u32 s2, s21;
	p2 =	slt.s32 s3, $0x1B0  }
0x212: {  	s0 =	ssub.s32 s0, s2;
	s3 =	simm.s32 @!p2 $0x1B0  }
0x213: {  	s0 =	sadd.s32 $0xFFFD90B0, s0;
	s24 =	sshll.u32 s3, $0x3  }
0x214: {  	s28 =	simm.s32 $0x9;
	s25 =	sshll.u32 s0, $0x2;
	s2 =	sand.u32 $0x3FFFFFF8, s24  }
0x215: {  	p2 =	sgt.s32 s0, $0x1AF;
	s26 =	ssub.s32 $0x6C0, s25;
	_ =	swait.ge [sflag:s28], s2  }
0x216: {  	s2 =	ssub.s32 $0x0, s2;
	[sflag:s28] =	ssyncset.done $0x0;
	s0 =	sshrl.u32 s26, $0x2  }
0x217: {  	s30 =	simm.s32 $0xB;
	[sflag:s28] =	ssyncadd.s32 s2;
	s0 =	simm.s32 @p2 $0x0  }
0x218: {  	_ =	swait.ge [sflag:s30], s0  }
0x219: {  	s0 =	ssub.s32 $0x0, s0;
	[sflag:s30] =	ssyncset.done $0x0  }
0x21a: {  	[sflag:s30] =	ssyncadd.s32 s0  }
0x21b: {  	v1 =	vld [tilespmem:$0x3648];
	_ =	sdelay $0x4  }
0x21c: {  	(v2sf) =	vpush v1, $0x0  }
0x21d: {  	(v2sf) =	vpush v1, $0x1  }
0x21e: {  	(v2sf) =	vpush v1, $0x2;
	_ =	sdelay $0x3  }
0x21f: {  	s0 =	sadd.s32 $0x1B0, s21  }
0x220: {  	s2 =	ssub.s32 $0x4E200, s21;
	p2 =	slt.s32 s7, s0  }
0x221: {  	s0 =	smov.u32 @p2 s7;
	p2 =	sgt.s32 s2, $0x0  }
0x222: {  	s25 =	ssub.s32 s0, s21;
	s2 =	simm.s32 @!p2 $0x0  }
0x223: {  	p2 =	slt.s32 s2, s25  }
0x224: {  	s25 =	smov.u32 @p2 s2  }
0x225: {  	s24 =	simm.s32 $0x1;
	p2 =	slt.s32 s25, $0x1  }
.Ltmp9:
0x226: {  	s24 =	simm.s32 @!p4 $0x0;
	(pc) =	sbr.rel @p2 .LBB2_12-.Ltmp9, $4  }
0x227: {  	s31 =	smul.u32 $0x6C0, s24  }
0x228: {  	s26 =	spop (v2sf)  }
0x229: {  	s0 =	sshrl.u32 s31, $0x2;
	s29 =	spop (v2sf)  }
0x22a: {  	s22 =	sadd.s32 $0x3D98, s0;
	s21 =	spop (v2sf)  }
0x22b: {  	s0 =	smin.u32 s25, $0x10  }
0x22c: {  	v1 =	vmov s0  }
0x22d: {  	p3 =	sgt.s32 s25, $0x10;
	vm1 =	vgt.u32 v1, v0  }
.Ltmp10:
0x22e: {  	_ = 	snop;
	(pc) =	sbr.rel @!p3 .LBB2_11-.Ltmp10, $2  }
0x22f: {  	_ =	sdelay $0x2  }
0x230: {  	s23 =	simm.s32 $0x10;
	s28 =	sadd.s32 $0xFFFFFFF0, s25;
	s0 =	smov.u32 s22;
	vm0 =	vmmov vm1  }
.LBB2_10:
0x231: {  	s2 =	smin.u32 s28, $0x10;
	s23 =	sadd.s32 $0x10, s23;
	v1 =	vld.msk [tilespmem:s0+$0x0 ss:$0x1], vm1  }
0x232: {  	v2 =	vmov s2;
	p3 =	slt.s32 s23, s25  }
0x233: {  	vm1 =	vgt.u32 v2, v0  }
.Ltmp11:
0x234: {  	(pc) =	sbr.rel @p3 .LBB2_10-.Ltmp11, $3  }
0x235: {  	_ =	sdelay $0x1  }
0x236: {  	v1 =	vshll.u32 v1, $0x4  }
0x237: {  	s28 =	sadd.s32 $0xFFFFFFF0, s28;
	[tilespmem:s0+$0x0] =	vst.msk vm0, v1;
	s0 =	sadd.s32 $0x10, s0;
	vm0 =	vmmov vm1  }
.LBB2_11:
0x238: {  	_ =	sdelay $0x4  }
0x239: {  	v1 =	vld.msk [tilespmem:s0+$0x0 ss:$0x1], vm1;
	_ =	sdelay $0x4  }
0x23a: {  	v1 =	vshll.u32 v1, $0x4  }
0x23b: {  	[tilespmem:s0+$0x0] =	vst.msk vm0, v1  }
.LBB2_12:
0x23c: {  	s0 =	sand.u32 $0x1, s20  }
0x23d: {  	s0 =	smul.u32 $0x1B0, s0  }
0x23e: {  	p3 =	sne.s32 s29, $0xFFFFFFFF  }
0x23f: {  	v1 =	vld.msk @!p3 [tilespmem:s0+$0x3D98], $0x1;
	_ =	sdelay $0x4  }
0x240: {  	(v2sf) =	vpush @!p3 v1, $0x0;
	_ =	sdelay $0xc  }
.Ltmp12:
0x241: {  	_ = 	snop;
	(pc) =	sbr.rel @p2 .LBB2_18-.Ltmp12, $4  }
0x242: {  	_ = 	snop  }
0x243: {  	s28 =	spop @!p3 (v2sf)  }
0x244: {  	s21 =	simm.s32 @!p3 $0x0;
	s23 =	smov.u32 s28  }
0x245: {  	[sflag:s17] =	ssyncpa.u1 $0x0;
	s28 =	smov.u32 @p3 s26;
	s23 =	smov.u32 @p3 s29  }
0x246: {  	v1 =	vld.msk [tilespmem:s22+$0x0], $0x1;
	_ =	sdelay $0x4  }
0x247: {  	(v2sf) =	vpush v1, $0x0;
	_ =	sdelay $0xe  }
0x248: {  	s0 =	simm.s32 @!p4 $0x0;
	s26 =	smul.u32 $0x36000, s24;
	s31 =	spop (v2sf)  }
0x249: {  	s29 =	ssub.s32 $0x0, s25;
	s0 =	simm.s32 @p4 $0x1;
	p2 =	seq.s32 s28, s31  }
0x24a: {  	s2 =	smov.u32 s28;
	[smem:$0x7FD] =	sst s0;
	p3 =	sgt.s32 @!p2 s28, $0x0  }
0x24b: {  	s0 =	sshrl.u32 s26, $0x2;
	s26 =	sadd.s32 $0x1, s29;
	p3 =	por !p3, p2  }
0x24c: {  	s2 =	simm.s32 @p3 $0x0;
	p3 =	seq.s32 s26, $0x0  }
.Ltmp13:
0x24d: {  	_ = 	snop;
	(pc) =	sbr.rel @p3 .LBB2_15-.Ltmp13, $4  }
0x24e: {  	s6 =	smov.u32 s4;
	s25 =	simm.s32 $0x0  }
0x24f: {  	s24 =	sadd.s32 $0x40F8, s0;
	s0 =	simm.s32 @!p2 $0x1;
	s3 =	smin.u32 @!p2 s2, $0x270FF  }
0x250: {  	s30 =	sadd.s32 $0x1, s22;
	s0 =	smov.u32 @p2 s25;
	s5 =	sand.u32 @!p2 $0x3FFF8, s3  }
0x251: {  	s2 =	simm.s32 @!p2 $0x1B38;
	s3 =	sand.u32 @!p2 $0x7, s3;
	s5 =	sadd.s32 @!p2 s1, s5  }
.LBB2_14:
0x252: {  	s4 =	smov.u32 s0  }
0x253: {  	[tilespmem:s2], [sflag:$0x2] =	stream.linear.gather @!p2 [hbm4b:s5+s3], $0x8, $0x38;
	[tilespmem:$0x1F0F8] =	vst v63  }
0x254: {  	s26 =	sadd.s32 $0x1, s26;
	s3 =	smov.u32 s31;
	v1 =	vld.msk [tilespmem:s30+$0x0], $0x1  }
0x255: {  	p3 =	seq.s32 s26, $0x0;
	_ =	sdelay $0x3  }
0x256: {  	(v2sf) =	vpush v1, $0x0;
	_ =	sdelay $0xe  }
0x257: {  	s31 =	spop (v2sf)  }
0x258: {  	p2 =	seq.s32 s3, s31  }
0x259: {  	p4 =	sgt.s32 @!p2 s3, $0x0;
	s2 =	sshll.u32 @!p2 s0, $0x6;
	s0 =	sadd.s32 @!p2 $0x1, s0  }
.Ltmp14:
0x25a: {  	p4 =	por !p4, p2;
	s2 =	sshra.s32 @!p2 s2, $0x2;
	(pc) =	sbr.rel @!p3 .LBB2_14-.Ltmp14, $4  }
0x25b: {  	s0 =	smov.u32 @p2 s4;
	s3 =	simm.s32 @p4 $0x0;
	s2 =	sadd.s32 @!p2 $0x1B38, s2  }
0x25c: {  	s3 =	smin.u32 @!p2 s3, $0x270FF  }
0x25d: {  	s4 =	sand.u32 @!p2 $0x3FFF8, s3;
	s3 =	sand.u32 @!p2 $0x7, s3  }
0x25e: {  	s30 =	sadd.s32 $0x1, s30;
	s5 =	sadd.s32 @!p2 s1, s4  }
.LBB2_15:
0x25f: {  	[tilespmem:s2], [sflag:$0x2] =	stream.linear.gather @!p2 [hbm4b:s5+s3], $0x8, $0x38;
	[tilespmem:$0x1F0F8] =	vst v63  }
0x260: {  	s0 =	sshll.u32 s0, $0x3  }
0x261: {  	s31 =	simm.s32 $0x2;
	s0 =	sand.u32 $0x3FFFFFF8, s0  }
0x262: {  	_ =	swait.ge [sflag:s31], s0  }
0x263: {  	s0 =	ssub.s32 $0x0, s0;
	[sflag:s31] =	ssyncset.done $0x0  }
0x264: {  	[sflag:s31] =	ssyncadd.s32 s0  }
0x265: {  	v1 =	vld.msk [tilespmem:s22+$0x0], $0x1;
	_ =	sdelay $0x4  }
0x266: {  	(v2sf) =	vpush v1, $0x0;
	_ =	sdelay $0xe  }
0x267: {  	s26 =	spop (v2sf)  }
0x268: {  	p2 =	sne.s32 s28, s26  }
0x269: {  	p4 =	sne.s32 @p2 s28, s23  }
0x26a: {  	p3 =	por !p4, !p2  }
0x26b: {  	s0 =	simm.s32 @!p3 $0x0  }
0x26c: {  	v1 =	vld.msk @!p3 [tilespmem:s0+$0x1B38], $0xff  }
0x26d: {  	p5 =	sgt.u32 @!p3 s28, $0x270FF  }
0x26e: {  	s2 =	sshll.u32 @!p3 s21, $0x6;
	p6 =	por @p2 p5, !p4  }
0x26f: {  	s2 =	sshra.s32 @!p3 s2, $0x2;
	p1 =	por p6, !p2;
	p6 =	por p4, !p2  }
0x270: {  	s3 =	sadd.s32 @!p3 $0x28, s2;
	s4 =	sand.u32 @!p1 $0x3FFF8, s28;
	s5 =	sshll.u32 @!p6 s21, $0x6  }
0x271: {  	s28 =	sand.u32 @!p1 $0x7, s28;
	[tilespmem:s2+$0x28] =	vst.add.f32.msk @!p3 $0xff, v1;
	s2 =	sadd.s32 @!p1 s1, s4;
	s4 =	sshra.s32 @!p6 s5, $0x2  }
0x272: {  	[hbm4b:s2+s28] =	stream.linear.scatter @!p1 [tilespmem:s3], [sflag:$0xC], $0x8, $0x38;
	[tilespmem:$0x1F0F8] =	vst v63  }
0x273: {  	s0 =	rddreg [dreg:$0x5];
	s2 =	sadd.s32 @!p6 $0x28, s4;
	s3 =	simm.s32 @!p6 $0x1  }
0x274: {  	[spmem:s0] =	stream.linear.scatter @!p6 [tilespmem:s2], [sflag:$0x1], $0x8, $0x38;
	[tilespmem:$0x1F0F8] =	vst v63  }
0x275: {  	s0 =	sadd.s32 @p2 $0x1, s21;
	_ =	swait.ge @!p6 [sflag:s3], $0x8  }
0x276: {  	s2 =	sshrl.u32 @p2 s0, $0x4;
	[sflag:s3] =	ssyncset.done @!p6 $0x0  }
0x277: {  	s2 =	smulhi.u32 @p2 $0x97B425F, s2;
	[sflag:s3] =	ssyncadd.s32 @!p6 $0xFFFFFFF8  }
0x278: {  	s28 =	sadd.s32 $0x1, s29;
	v1 =	vld.msk @p2 [tilespmem:s24+$0x0], $0xff  }
0x279: {  	p1 =	por @p2 !p5, !p4;
	p4 =	seq.s32 s28, $0x0;
	s2 =	smul.u32 @p2 $0x1B0, s2  }
.Ltmp15:
0x27a: {  	p1 =	por !p1, !p2;
	s3 =	simm.s32 @!p3 $0x0;
	(pc) =	sbr.rel @p4 .LBB2_17-.Ltmp15, $4  }
0x27b: {  	s4 =	sshll.u32 @!p2 s21, $0x6;
	s3 =	simm.s32 @!p1 $0x20;
	s0 =	ssub.s32 @p2 s0, s2  }
0x27c: {  	s29 =	simm.s32 $0x0;
	s3 =	sadd.s32 @!p3 $0x0, s3;
	s5 =	sshll.u32 @p2 s0, $0x4  }
0x27d: {  	s30 =	sshra.s32 @!p2 s4, $0x2;
	s2 =	simm.s32 @p2 $0x1;
	s3 =	smov.u32 @p3 s25;
	[tilespmem:s5+$0x28] =	vst.msk @p2 $0xff, v1  }
0x27e: {  	s21 =	smov.u32 @p2 s0;
	s29 =	smov.u32 @p2 s3;
	s25 =	smov.u32 @p2 s2;
	v1 =	vld.msk @!p2 [tilespmem:s24+$0x0], $0xff  }
.LBB2_16:
0x27f: {  	_ =	sdelay $0x3  }
0x280: {  	s22 =	sadd.s32 $0x1, s22;
	[tilespmem:s30+$0x28] =	vst.add.f32.msk @!p2 $0xff, v1  }
0x281: {  	v1 =	vld.msk [tilespmem:s22+$0x0], $0x1;
	_ =	sdelay $0x4  }
0x282: {  	(v2sf) =	vpush v1, $0x0;
	_ =	sdelay $0xe  }
0x283: {  	s0 =	smov.u32 s26;
	s26 =	spop (v2sf)  }
0x284: {  	p2 =	sne.s32 s0, s26  }
0x285: {  	p5 =	sne.s32 @p2 s0, s23  }
0x286: {  	s4 =	sshll.u32 @!p2 s21, $0x6;
	p4 =	por !p5, !p2  }
0x287: {  	s30 =	sshra.s32 @!p2 s4, $0x2;
	s4 =	sshll.u32 @!p4 s25, $0x6  }
0x288: {  	s4 =	sshra.s32 @!p4 s4, $0x2  }
0x289: {  	p1 =	sgt.u32 @!p4 s0, $0x270FF;
	v1 =	vld.msk @!p4 [tilespmem:s4+$0x1B38], $0xff  }
0x28a: {  	s31 =	sshll.u32 @!p4 s21, $0x6;
	p6 =	por @p2 p1, !p5;
	p1 =	por @p2 !p1, !p5  }
0x28b: {  	s8 =	simm.s32 @!p4 $0x0;
	s31 =	sshra.s32 @!p4 s31, $0x2;
	p1 =	por !p1, !p2  }
0x28c: {  	p5 =	por p5, !p2;
	s8 =	simm.s32 @!p1 $0x20;
	p1 =	por p6, !p2  }
0x28d: {  	s4 =	sadd.s32 @!p4 $0x28, s31;
	s13 =	sshll.u32 @!p5 s21, $0x6;
	s10 =	sand.u32 @!p1 $0x3FFF8, s0  }
0x28e: {  	s13 =	sshra.s32 @!p5 s13, $0x2;
	s0 =	sand.u32 @!p1 $0x7, s0;
	s10 =	sadd.s32 @!p1 s1, s10;
	[tilespmem:s31+$0x28] =	vst.add.f32.msk @!p4 $0xff, v1  }
0x28f: {  	[hbm4b:s10+s0] =	stream.linear.scatter @!p1 [tilespmem:s4], [sflag:$0xC], $0x8, $0x38;
	[tilespmem:$0x1F0F8] =	vst v63  }
0x290: {  	s2 =	rddreg [dreg:$0x5];
	s0 =	sadd.s32 @!p5 $0x28, s13;
	s4 =	simm.s32 @!p5 $0x1  }
0x291: {  	[spmem:s2] =	stream.linear.scatter @!p5 [tilespmem:s0], [sflag:$0x1], $0x8, $0x38;
	[tilespmem:$0x1F0F8] =	vst v63  }
0x292: {  	s3 =	sadd.s32 @p2 $0x1, s21;
	_ =	swait.ge @!p5 [sflag:s4], $0x8  }
0x293: {  	s5 =	sshrl.u32 @p2 s3, $0x4;
	[sflag:s4] =	ssyncset.done @!p5 $0x0  }
0x294: {  	s24 =	sadd.s32 $0x80, s24;
	s5 =	smulhi.u32 @p2 $0x97B425F, s5;
	[sflag:s4] =	ssyncadd.s32 @!p5 $0xFFFFFFF8  }
0x295: {  	s28 =	sadd.s32 $0x1, s28;
	v1 =	vld.msk @p2 [tilespmem:s24+$0x0], $0xff  }
0x296: {  	p3 =	seq.s32 s28, $0x0;
	s5 =	smul.u32 @p2 $0x1B0, s5  }
.Ltmp16:
0x297: {  	_ = 	snop;
	(pc) =	sbr.rel @!p3 .LBB2_16-.Ltmp16, $4  }
0x298: {  	s3 =	ssub.s32 @p2 s3, s5  }
0x299: {  	s8 =	sadd.s32 @!p4 s8, s29;
	s5 =	sshll.u32 @p2 s3, $0x4  }
0x29a: {  	s9 =	sadd.s32 @p2 $0x1, s25;
	s8 =	smov.u32 @p4 s29;
	[tilespmem:s5+$0x28] =	vst.msk @p2 $0xff, v1  }
0x29b: {  	s25 =	smov.u32 @p2 s9;
	s21 =	smov.u32 @p2 s3;
	s29 =	smov.u32 @p2 s8;
	v1 =	vld.msk @!p2 [tilespmem:s24+$0x0], $0xff  }
.LBB2_17:
.Ltmp17:
0x29c: {  	_ = 	snop;
	(pc) =	sbr.rel .LBB2_19-.Ltmp17, $3  }
0x29d: {  	s2 =	sld [smem:$0x7FD];
	_ =	sdelay $0x1  }
0x29e: {  	s0 =	sshrl.u32 s29, $0x2;
	s28 =	smov.u32 s26  }
0x29f: {  	s4 =	smov.u32 s6;
	s6 =	rddreg [dreg:$0x7];
	p4 =	seq.s32 s2, $0x1;
	[tilespmem:s30+$0x28] =	vst.add.f32.msk @!p2 $0xff, v1  }
.LBB2_21:
0x2a0: {  	_ =	sfence.sel $0x180000  }
0x2a1: {  	s0 =	simm.s32 $0x9;
	[bflag:$0x0] =	sbarrier.arrive $0xFFFF  }
0x2a2: {  	s24 =	simm.s32 $0xA;
	[sflag:s0] =	ssyncpa.u1 $0x1  }
0x2a3: {  	s25 =	simm.s32 $0xB;
	[sflag:s24] =	ssyncpa.u1 $0x1  }
0x2a4: {  	s26 =	simm.s32 $0x2;
	[sflag:s25] =	ssyncpa.u1 $0x1  }
0x2a5: {  	[sflag:s26] =	ssyncpa.u1 $0x1  }
0x2a6: {  	v0 =	vld [tilespmem:$0x3648];
	_ =	sdelay $0x4  }
0x2a7: {  	(v2sf) =	vpush v0, $0x0  }
0x2a8: {  	(v2sf) =	vpush v0, $0x1;
	_ =	sdelay $0x1  }
0x2a9: {  	(v2sf) =	vpush v0, $0x2;
	_ =	sdelay $0xb  }
0x2aa: {  	s0 =	spop (v2sf)  }
0x2ab: {  	s2 =	spop (v2sf)  }
0x2ac: {  	s3 =	smov.u32 s0;
	p0 =	sne.s32 s0, s2  }
0x2ad: {  	s4 =	spop (v2sf);
	s3 =	simm.s32 @!p0 $0xFFFFFFFF  }
0x2ae: {  	v2 =	vimm.s32 $0x1;
	v3 =	vlaneseq.u32;
	p0 =	seq.s32 s4, $0xFFFFFFFF;
	v1 =	vmov s3  }
0x2af: {  	s16 =	stileid.u32;
	v0 =	vperm.xlane v0, v2;
	p1 =	sne.s32 @!p0 s0, s2;
	v1 =	vperm.xlane v1, v3  }
0x2b0: {  	vm0 =	vcmask $0x3F04;
	s6 =	simm.s32 $0x3648;
	s0 =	simm.s32 @!p0 $0x1;
	p1 =	por !p1, p0  }
0x2b1: {  	s3 =	sshll.u32 s16, $0x1;
	s2 =	sshll.u32 @!p0 s4, $0x6;
	s0 =	simm.s32 @p1 $0x0;
	v0 =	vsel vm0, v1, v0  }
0x2b2: {  	s5 =	sor.u32 $0x200, s3;
	s2 =	sshra.s32 @!p0 s2, $0x2;
	s0 =	sor.u32 @!p0 s0, s3;
	[tilespmem:$0x3648] =	vst v0  }
0x2b3: {  	[spmem:s5] =	stream.linear.scatter [tilespmem:s6], [sflag:$0x1], $0x2, $0x38;
	[tilespmem:$0x1F0F8] =	vst v63  }
0x2b4: {  	s2 =	sadd.s32 @!p0 $0x28, s2;
	s0 =	sshll.u32 @!p0 s0, $0x4  }
0x2b5: {  	[spmem:s0] =	stream.linear.scatter @!p0 [tilespmem:s2], [sflag:$0x1], $0x10, $0x38;
	[tilespmem:$0x1F0F8] =	vst v63  }
0x2b6: {  	s0 =	simm.s32 @!p0 $0x12  }
0x2b7: {  	s28 =	simm.s32 $0x1;
	s0 =	simm.s32 @p0 $0x2  }
0x2b8: {  	_ =	swait.ge [sflag:s28], s0  }
0x2b9: {  	s0 =	ssub.s32 $0x0, s0;
	[sflag:s28] =	ssyncset.done $0x0  }
0x2ba: {  	p0 =	sne.s32 s16, $0x0;
	[sflag:s28] =	ssyncadd.s32 s0  }
.Ltmp18:
0x2bb: {  	_ =	sfence.stream.spmem;
	(pc) =	sbr.rel @p0 .LBB2_38-.Ltmp18, $4  }
0x2bc: {  	s29 =	simm.s32 $0x3;
	[bflag:$0x0] =	sbarrier.arrive $0xFFFF  }
0x2bd: {  	s30 =	simm.s32 $0x4;
	[sflag:s29] =	ssyncpa.u1 $0x1  }
0x2be: {  	s31 =	simm.s32 $0x3C;
	[sflag:s30] =	ssyncpa.u1 $0x1  }
0x2bf: {  	s17 =	rddreg [dreg:$0x6];
	[sflag:s31] =	ssyncpa.u1 $0x1  }
0x2c0: {  	_ =	sfence.stream.spmem;
	s0 =	simm.s32 $0x5  }
0x2c1: {  	s2 =	simm.s32 $0x200;
	s3 =	simm.s32 $0x3658;
	[sflag:s0] =	ssyncpa.u1 $0x0  }
0x2c2: {  	[tilespmem:s3], [sflag:$0x5] =	stream.linear.gather [spmem:s2], $0x20, $0x38;
	[tilespmem:$0x1F0F8] =	vst v63  }
0x2c3: {  	s26 =	simm.s32 $0x0;
	s28 =	simm.s32 $0x3678  }
0x2c4: {  	[tilespmem:s28], [sflag:$0x5] =	stream.linear.gather [spmem:s26], $0x200, $0x38;
	[tilespmem:$0x1F0F8] =	vst v63  }
0x2c5: {  	_ =	swait.ge [sflag:s0], $0x220  }
0x2c6: {  	[sflag:s0] =	ssyncset.done $0x0  }
0x2c7: {  	s29 =	simm.s32 $0x0;
	[sflag:s0] =	ssyncadd.s32 $0xFFFFFDE0  }
0x2c8: {  	v0 =	vld.msk [tilespmem:s29+$0x3658], $0x1;
	_ =	sdelay $0x1  }
0x2c9: {  	s30 =	simm.s32 $0x1  }
0x2ca: {  	v1 =	vld.msk [tilespmem:s30+$0x3658], $0x1;
	_ =	sdelay $0x1  }
0x2cb: {  	(v2sf) =	vpush v0, $0x0;
	_ =	sdelay $0x2  }
0x2cc: {  	(v2sf) =	vpush v1, $0x0;
	_ =	sdelay $0x2  }
0x2cd: {  	s31 =	simm.s32 $0x2  }
0x2ce: {  	v0 =	vld.msk [tilespmem:s31+$0x3658], $0x1;
	_ =	sdelay $0x2  }
0x2cf: {  	s6 =	simm.s32 $0xFFFFFFFF;
	s2 =	simm.s32 $0xFFFFFFFF;
	s0 =	simm.s32 $0xC  }
.LBB2_23:
0x2d0: {  	s3 =	smov.u32 s6;
	s4 =	smov.u32 s2  }
0x2d1: {  	s2 =	sshra.s32 s0, $0x2;
	p1 =	sne.s32 s0, $0x7C;
	s0 =	sadd.s32 $0x4, s0;
	(v2sf) =	vpush v0, $0x0  }
0x2d2: {  	v0 =	vld.msk [tilespmem:s2+$0x3658], $0x1  }
.Ltmp19:
0x2d3: {  	(pc) =	sbr.rel @p1 .LBB2_23-.Ltmp19, $4  }
0x2d4: {  	s6 =	spop (v2sf)  }
0x2d5: {  	p2 =	sne.s32 s4, $0xFFFFFFFF;
	s2 =	smov.u32 s6  }
0x2d6: {  	p3 =	seq.s32 s6, $0xFFFFFFFF;
	s2 =	smov.u32 @p2 s4  }
0x2d7: {  	s6 =	smov.u32 @p3 s3;
	s2 =	smov.u32 @p3 s4  }
0x2d8: {  	(v2sf) =	vpush v0, $0x0;
	_ =	sdelay $0x8  }
0x2d9: {  	s0 =	spop (v2sf)  }
0x2da: {  	p1 =	sne.s32 s2, $0xFFFFFFFF;
	s3 =	smov.u32 s0  }
0x2db: {  	s9 =	simm.s32 $0x6;
	p2 =	seq.s32 s0, $0xFFFFFFFF;
	s3 =	smov.u32 @p1 s2  }
0x2dc: {  	s10 =	simm.s32 $0x3638;
	s3 =	smov.u32 @p2 s2;
	s2 =	spop (v2sf)  }
0x2dd: {  	s0 =	smov.u32 @p2 s6;
	p1 =	sne.s32 s3, $0xFFFFFFFF;
	s4 =	smov.u32 s2  }
.Ltmp20:
0x2de: {  	p2 =	seq.s32 s2, $0xFFFFFFFF;
	s4 =	smov.u32 @p1 s3;
	(pc) =	sbr.rel .LBB2_25-.Ltmp20, $4  }
0x2df: {  	s11 =	simm.s32 $0x0;
	s4 =	smov.u32 @p2 s3;
	s7 =	spop (v2sf)  }
0x2e0: {  	[sflag:s9] =	ssyncpa.u1 $0x0;
	p1 =	sne.s32 s4, $0xFFFFFFFF;
	s8 =	smov.u32 s7  }
0x2e1: {  	s2 =	smov.u32 @p2 s0;
	p2 =	seq.s32 s7, $0xFFFFFFFF;
	s8 =	smov.u32 @p1 s4  }
0x2e2: {  	s6 =	simm.s32 $0x0;
	s7 =	smov.u32 @p2 s2;
	s8 =	smov.u32 @p2 s4  }
.LBB2_30:
0x2e3: {  	p1 =	sgt.u32 s12, $0x270FF  }
0x2e4: {  	p2 =	seq.s32 @!p1 s12, s8  }
0x2e5: {  	p1 =	por p1, p2  }
0x2e6: {  	p2 =	sne.s32 @!p1 s12, s7  }
0x2e7: {  	p1 =	por p1, !p2  }
0x2e8: {  	s0 =	sshll.u32 @p1 s11, $0x6  }
0x2e9: {  	s0 =	sand.u32 @!p1 $0x3FFF8, s12  }
0x2ea: {  	s2 =	sand.u32 @!p1 $0x7, s12;
	s0 =	sadd.s32 @!p1 s1, s0  }
0x2eb: {  	[tilespmem:s10], [sflag:$0x6] =	stream.linear.gather @!p1 [hbm4b:s0+s2], $0x8, $0x38;
	[tilespmem:$0x1F0F8] =	vst v63  }
0x2ec: {  	_ =	swait.ge @!p1 [sflag:s9], $0x8  }
0x2ed: {  	[sflag:s9] =	ssyncset.done @!p1 $0x0  }
0x2ee: {  	[sflag:s9] =	ssyncadd.s32 @!p1 $0xFFFFFFF8  }
0x2ef: {  	v1 =	vld @!p1 [tilespmem:$0x3638];
	_ =	sdelay $0x2  }
0x2f0: {  	s0 =	sshll.u32 @!p1 s11, $0x6  }
0x2f1: {  	s2 =	sshrl.u32 @!p1 s0, $0x2  }
0x2f2: {  	[tilespmem:s2+$0x3678] =	vst.add.f32.msk @!p1 $0xffff, v1  }
0x2f3: {  	s0 =	sshrl.u32 s0, $0x2;
	[tilespmem:s6+$0x3658] =	vst.msk $0x1, v0  }
0x2f4: {  	v0 =	vld [tilespmem:s0+$0x3678];
	_ =	sdelay $0x2  }
0x2f5: {  	s31 =	sshll.u32 s6, $0x6  }
0x2f6: {  	s0 =	sshra.s32 s31, $0x2  }
0x2f7: {  	s6 =	sadd.s32 $0x1, s6;
	[tilespmem:s0+$0x3678] =	vst v0  }
.LBB2_32:
0x2f8: {  	s11 =	sadd.s32 $0x1, s11  }
0x2f9: {  	p1 =	sne.s32 s11, $0x20  }
.Ltmp21:
0x2fa: {  	_ = 	snop;
	(pc) =	sbr.rel @!p1 .LBB2_33-.Ltmp21, $1  }
0x2fb: {  	_ =	sdelay $0x3  }
.LBB2_25:
0x2fc: {  	v0 =	vld.msk [tilespmem:s11+$0x3658], $0x1;
	_ =	sdelay $0x4  }
0x2fd: {  	(v2sf) =	vpush v0, $0x0;
	_ =	sdelay $0xe  }
0x2fe: {  	s12 =	spop (v2sf)  }
0x2ff: {  	p1 =	seq.s32 s12, $0xFFFFFFFF  }
.Ltmp22:
0x300: {  	_ = 	snop;
	(pc) =	sbr.rel @p1 .LBB2_32-.Ltmp22, $1  }
0x301: {  	_ =	sdelay $0x3  }
0x302: {  	p1 =	slt.s32 s6, $0x1  }
.Ltmp23:
0x303: {  	_ = 	snop;
	(pc) =	sbr.rel @p1 .LBB2_30-.Ltmp23, $1  }
0x304: {  	_ =	sdelay $0x3  }
0x305: {  	s13 =	simm.s32 $0x3658;
	p1 =	por $0x0, $0x0  }
0x306: {  	v1 =	vld.msk @!p1 [tilespmem:s13+$0x0], $0x1;
	_ =	sdelay $0x4  }
0x307: {  	(v2sf) =	vpush @!p1 v1, $0x0;
	_ =	sdelay $0xd  }
0x308: {  	p3 =	sne.s32 s6, $0x1  }
.Ltmp24:
0x309: {  	s0 =	spop @!p1 (v2sf);
	(pc) =	sbr.rel @!p3 .LBB2_29-.Ltmp24, $4  }
0x30a: {  	p2 =	seq.s32 @!p1 s12, s0  }
0x30b: {  	s14 =	simm.s32 $0x0;
	p2 =	por !p2, p1  }
0x30c: {  	s0 =	simm.s32 $0xFFFFFFFF;
	s14 =	simm.s32 @p2 $0xFFFFFFFF  }
0x30d: {  	s15 =	simm.s32 $0x1;
	s14 =	smov.u32 @p1 s0  }
.LBB2_28:
0x30e: {  	s0 =	smov.u32 s14;
	p1 =	sne.s32 s14, $0xFFFFFFFF  }
0x30f: {  	s13 =	sadd.s32 $0x1, s13;
	s14 =	smov.u32 s15;
	s15 =	sadd.s32 $0x1, s15  }
0x310: {  	p2 =	sne.s32 s6, s15;
	v1 =	vld.msk @!p1 [tilespmem:s13+$0x0], $0x1;
	_ =	sdelay $0x4  }
0x311: {  	(v2sf) =	vpush @!p1 v1, $0x0;
	_ =	sdelay $0xe  }
.Ltmp25:
0x312: {  	s2 =	spop @!p1 (v2sf);
	(pc) =	sbr.rel @p2 .LBB2_28-.Ltmp25, $4  }
0x313: {  	p3 =	seq.s32 @!p1 s12, s2  }
0x314: {  	p3 =	por !p3, p1  }
0x315: {  	s14 =	simm.s32 @p3 $0xFFFFFFFF  }
0x316: {  	s14 =	smov.u32 @p1 s0  }
.LBB2_29:
0x317: {  	p1 =	sne.s32 s14, $0xFFFFFFFF  }
.Ltmp26:
0x318: {  	_ = 	snop;
	(pc) =	sbr.rel @!p1 .LBB2_30-.Ltmp26, $1  }
0x319: {  	_ =	sdelay $0x3  }
0x31a: {  	s0 =	sshll.u32 s11, $0x4  }
0x31b: {  	s0 =	sand.u32 $0x3FFFFFF0, s0  }
0x31c: {  	v0 =	vld [tilespmem:s0+$0x3678]  }
.Ltmp27:
0x31d: {  	_ = 	snop;
	(pc) =	sbr.rel .LBB2_32-.Ltmp27, $4  }
0x31e: {  	_ = 	snop  }
0x31f: {  	s31 =	sshll.u32 s14, $0x6  }
0x320: {  	s0 =	sshra.s32 s31, $0x2  }
0x321: {  	[tilespmem:s0+$0x3678] =	vst.add.f32.msk $0xffff, v0  }
.LBB2_33:
0x322: {  	s0 =	simm.s32 $0x6;
	p1 =	seq.s32 s6, $0x0  }
0x323: {  	[sflag:s0] =	ssyncpa.u1 $0x1;
	v0 =	vimm.s32 @p1 $0xFFFFFFFF  }
0x324: {  	s9 =	sadd.s32 $0xFFFFFFFF, s6;
	[tilespmem:$0x3878] =	vst @p1 v0  }
0x325: {  	v0 =	vld.msk @!p1 [tilespmem:s9+$0x3658], $0x1;
	_ =	sdelay $0x1  }
0x326: {  	v1 =	vld.msk @!p1 [tilespmem:$0x3658], $0x1;
	_ =	sdelay $0x2  }
0x327: {  	p2 =	seq.s32 @!p1 s9, $0x0;
	v0 =	vbroadcast @!p1 v0, $0x0  }
0x328: {  	vm0 =	vmmov @!p1 $0x1;
	p2 =	por !p2, p1  }
0x329: {  	v1 =	vnsel @!p1 vm0, $0xFFFFFFFF, v1;
	vm0 =	vcmask @!p1 $0x308;
	v0 =	vpsel !p2, $0xFFFFFFFF, v0  }
0x32a: {  	p2 =	sne.s32 @!p1 s8, s7;
	v0 =	vsel @!p1 vm0, v1, v0  }
0x32b: {  	s0 =	simm.s32 @!p1 $0x3678;
	s2 =	simm.s32 @!p1 $0x0;
	p3 =	por !p2, p1;
	[tilespmem:$0x3878] =	vst @!p1 v0  }
0x32c: {  	[spmem:s2] =	stream.linear.scatter @!p1 [tilespmem:s0], [sflag:$0x1], $0x10, $0x38;
	[tilespmem:$0x1F0F8] =	vst v63  }
0x32d: {  	s0 =	sshll.u32 @!p3 s9, $0x6  }
0x32e: {  	s0 =	sshra.s32 @!p3 s0, $0x2  }
0x32f: {  	s2 =	simm.s32 @!p3 $0x10;
	s0 =	sadd.s32 @!p3 $0x3678, s0  }
0x330: {  	[spmem:s2] =	stream.linear.scatter @!p3 [tilespmem:s0], [sflag:$0x1], $0x10, $0x38;
	[tilespmem:$0x1F0F8] =	vst v63  }
0x331: {  	s0 =	simm.s32 @!p3 $0x1  }
0x332: {  	_ =	swait.ge @!p3 [sflag:s0], $0x20  }
0x333: {  	p1 =	por p2, p1;
	[sflag:s0] =	ssyncset.done @!p3 $0x0  }
0x334: {  	[sflag:s0] =	ssyncadd.s32 @!p3 $0xFFFFFFE0;
	s0 =	simm.s32 @!p1 $0x1  }
0x335: {  	_ =	swait.ge @!p1 [sflag:s0], $0x10  }
0x336: {  	s29 =	simm.s32 $0x3878;
	[sflag:s0] =	ssyncset.done @!p1 $0x0  }
0x337: {  	s30 =	simm.s32 $0x200;
	s31 =	simm.s32 $0x1;
	[sflag:s0] =	ssyncadd.s32 @!p1 $0xFFFFFFF0  }
0x338: {  	[spmem:s30] =	stream.linear.scatter [tilespmem:s29], [sflag:$0x1], $0x10, $0x38;
	[tilespmem:$0x1F0F8] =	vst v63  }
0x339: {  	_ =	swait.ge [sflag:s31], $0x10  }
0x33a: {  	[sflag:s31] =	ssyncset.done $0x0  }
0x33b: {  	p1 =	seq.s32 s17, $0x0;
	s8 =	rddreg [dreg:$0x2];
	[sflag:s31] =	ssyncadd.s32 $0xFFFFFFF0  }
0x33c: {  	s2 =	sshll.u32 @p1 s8, $0xE;
	s7 =	rddreg [dreg:$0x3]  }
0x33d: {  	s0 =	sadd.s32 @p1 $0x15C3C, s2;
	s2 =	sshll.u32 @p1 s7, $0x11  }
0x33e: {  	_ =	sfence.stream.spmem;
	s0 =	sor.u32 @p1 s2, s0  }
0x33f: {  	[sflag:s0] =	ssyncadd.remote.s32 @p1 $0x1;
	s0 =	simm.s32 @p1 $0x4  }
0x340: {  	s3 =	simm.s32 @!p1 $0x3C;
	s2 =	sand.u32 $0xFFFFFFFE, s8;
	_ =	swait.ge @p1 [sflag:s0], $0x6  }
0x341: {  	s4 =	simm.s32 @!p1 $0x0;
	s2 =	sadd.s32 @!p1 $0x4, s2;
	[sflag:s0] =	ssyncset.done @p1 $0x0  }
0x342: {  	s5 =	simm.s32 @!p1 $0x20;
	[sflag:s0] =	ssyncadd.s32 @p1 $0xFFFFFFFA;
	s0 =	sshll.u32 @!p1 s2, $0x1A  }
0x343: {  	s2 =	sshll.u32 @!p1 s2, $0xD;
	s0 =	sor.u32 @!p1 s0, s7;
	_ =	swait.eq @!p1 [sflag:s3], $0x1  }
0x344: {  	s2 =	sor.u32 @!p1 $0x1C04, s2;
	s3 =	simm.s32 @!p1 $0x1C03;
	s0 =	sor.u32 @!p1 $0x80004000, s0  }
0x345: {  	[spmem:s5], [sflag:s2] =	dma.general @!p1 [spmem:s4], [sflag:s3], length:$0x4, [dreg:$0x0], stride_count:$0x0, ici_dest:s0, dma_misc:DstOpCode:WRITE  }
0x346: {  	p2 =	slt.s32 s9, $0x2;
	s4 =	simm.s32 @!p1 $0x40;
	s5 =	simm.s32 @!p1 $0x42  }
0x347: {  	[spmem:s5], [sflag:s2] =	dma.general @!p1 [spmem:s4], [sflag:s3], length:$0x2, [dreg:$0x0], stride_count:$0x0, ici_dest:s0, dma_misc:DstOpCode:WRITE  }
.Ltmp28:
0x348: {  	s0 =	simm.s32 @!p1 $0x3;
	(pc) =	sbr.rel @p2 .LBB2_37-.Ltmp28, $4  }
0x349: {  	s2 =	sshll.u32 @!p1 s8, $0xE;
	_ =	swait.ge @!p1 [sflag:s0], $0x6  }
0x34a: {  	s3 =	sshll.u32 @!p1 s7, $0x11;
	s2 =	sadd.s32 @!p1 $0x11C3C, s2;
	[sflag:s0] =	ssyncset.done @!p1 $0x0  }
0x34b: {  	[sflag:s0] =	ssyncadd.s32 @!p1 $0xFFFFFFFA;
	s0 =	sor.u32 @!p1 s3, s2  }
0x34c: {  	[sflag:s0] =	ssyncadd.remote.s32 @!p1 $0xFFFFFFFF;
	s0 =	simm.s32 $0x0  }
0x34d: {  	s0 =	simm.s32 $0x3659  }
0x34e: {  	v0 =	vld.msk [tilespmem:s0+$0x0], $0x1;
	_ =	sdelay $0x4  }
0x34f: {  	(v2sf) =	vpush v0, $0x0;
	_ =	sdelay $0xd  }
0x350: {  	s3 =	sadd.s32 $0xFFFFFFFE, s6  }
0x351: {  	s3 =	sadd.s32 $0xFFFFFFFF, s3;
	s0 =	spop (v2sf)  }
0x352: {  	p2 =	sne.s32 s3, $0x0;
	p1 =	sgt.u32 s0, $0x270FF  }
.Ltmp29:
0x353: {  	s4 =	sand.u32 @!p1 $0x3FFF8, s0;
	(pc) =	sbr.rel @!p2 .LBB2_36-.Ltmp29, $4  }
0x354: {  	s2 =	simm.s32 $0x3688;
	s0 =	sand.u32 @!p1 $0x7, s0;
	s4 =	sadd.s32 @!p1 s1, s4  }
0x355: {  	[hbm4b:s4+s0] =	stream.linear.scatter @!p1 [tilespmem:s2], [sflag:$0x5], $0x8, $0x38;
	[tilespmem:$0x1F0F8] =	vst v63  }
0x356: {  	s0 =	simm.s32 $0x0  }
0x357: {  	s6 =	simm.s32 $0x0;
	s7 =	simm.s32 $0x365A;
	s0 =	simm.s32 @!p1 $0x20  }
.LBB2_35:
0x358: {  	v0 =	vld.msk [tilespmem:s7+$0x0], $0x1;
	s3 =	sadd.s32 $0xFFFFFFFF, s3;
	s6 =	sadd.s32 s6, s0  }
0x359: {  	p1 =	sne.s32 s3, $0x0;
	_ =	sdelay $0x3  }
0x35a: {  	(v2sf) =	vpush v0, $0x0;
	_ =	sdelay $0xe  }
.Ltmp30:
0x35b: {  	s4 =	spop (v2sf);
	(pc) =	sbr.rel @p1 .LBB2_35-.Ltmp30, $4  }
0x35c: {  	s0 =	simm.s32 $0x0;
	p2 =	sgt.u32 s4, $0x270FF  }
0x35d: {  	s2 =	sadd.s32 $0x10, s2;
	s0 =	simm.s32 @!p2 $0x20;
	s5 =	sand.u32 @!p2 $0x3FFF8, s4  }
0x35e: {  	s7 =	sadd.s32 $0x1, s7;
	s4 =	sand.u32 @!p2 $0x7, s4;
	s5 =	sadd.s32 @!p2 s1, s5  }
0x35f: {  	[hbm4b:s5+s4] =	stream.linear.scatter @!p2 [tilespmem:s2], [sflag:$0x5], $0x8, $0x38;
	[tilespmem:$0x1F0F8] =	vst v63  }
.LBB2_36:
0x360: {  	s0 =	sadd.s32 s6, s0  }
0x361: {  	s0 =	sshrl.u32 s0, $0x2  }
.LBB2_37:
0x362: {  	s2 =	simm.s32 $0x5  }
0x363: {  	_ =	swait.ge [sflag:s2], s0  }
0x364: {  	s31 =	ssub.s32 $0x0, s0;
	[sflag:s2] =	ssyncset.done $0x0  }
0x365: {  	[sflag:s2] =	ssyncadd.s32 s31  }
0x366: {  	[sflag:s2] =	ssyncpa.u1 $0x1  }
.LBB2_38:
0x367: {  	s0 =	sor.u32 s17, s16  }
0x368: {  	p1 =	sne.s32 s0, $0x0  }
.Ltmp31:
0x369: {  	_ = 	snop;
	(pc) =	sbr.rel @p1 .LBB2_53-.Ltmp31, $3  }
0x36a: {  	_ =	sdelay $0x1  }
0x36b: {  	[bflag:$0x0] =	sbarrier.arrive $0xFFFF  }
0x36c: {  	_ =	sfence  }
0x36d: {  	s0 =	simm.s32 $0x7  }
0x36e: {  	s2 =	simm.s32 $0x200;
	s3 =	simm.s32 $0x3658;
	[sflag:s0] =	ssyncpa.u1 $0x0  }
0x36f: {  	[tilespmem:s3], [sflag:$0x7] =	stream.linear.gather [spmem:s2], $0x20, $0x38;
	[tilespmem:$0x1F0F8] =	vst v63  }
0x370: {  	s30 =	simm.s32 $0x3678;
	s2 =	simm.s32 $0x0  }
0x371: {  	[tilespmem:s30], [sflag:$0x7] =	stream.linear.gather [spmem:s2], $0x200, $0x38;
	[tilespmem:$0x1F0F8] =	vst v63  }
.Ltmp32:
0x372: {  	_ = 	snop;
	(pc) =	sbr.rel .LBB2_40-.Ltmp32, $4  }
0x373: {  	_ =	swait.ge [sflag:s0], $0x220  }
0x374: {  	[sflag:s0] =	ssyncset.done $0x0  }
0x375: {  	s31 =	simm.s32 $0x8;
	[sflag:s0] =	ssyncadd.s32 $0xFFFFFDE0  }
0x376: {  	s3 =	simm.s32 $0x0;
	[sflag:s31] =	ssyncpa.u1 $0x0  }
.LBB2_45:
0x377: {  	p1 =	slt.u32 s4, $0x27100  }
0x378: {  	s0 =	sand.u32 @p1 $0x3FFF8, s4  }
0x379: {  	s4 =	sand.u32 @p1 $0x7, s4;
	s5 =	simm.s32 @p1 $0x3638;
	s0 =	sadd.s32 @p1 s1, s0  }
0x37a: {  	[tilespmem:s5], [sflag:$0x8] =	stream.linear.gather @p1 [hbm4b:s0+s4], $0x8, $0x38;
	[tilespmem:$0x1F0F8] =	vst v63  }
0x37b: {  	s0 =	simm.s32 @p1 $0x8  }
0x37c: {  	_ =	swait.ge @p1 [sflag:s0], $0x8  }
0x37d: {  	[sflag:s0] =	ssyncset.done @p1 $0x0  }
0x37e: {  	[sflag:s0] =	ssyncadd.s32 @p1 $0xFFFFFFF8  }
0x37f: {  	v1 =	vld @p1 [tilespmem:$0x3638];
	_ =	sdelay $0x2  }
0x380: {  	s0 =	sshll.u32 @p1 s3, $0x6  }
0x381: {  	s5 =	sshll.u32 @!p1 s3, $0x6;
	s4 =	sshrl.u32 @p1 s0, $0x2  }
0x382: {  	s5 =	smov.u32 @p1 s0;
	[tilespmem:s4+$0x3678] =	vst.add.f32.msk @p1 $0xffff, v1  }
0x383: {  	s0 =	sshrl.u32 s5, $0x2;
	[tilespmem:s2+$0x3658] =	vst.msk $0x1, v0  }
0x384: {  	v0 =	vld [tilespmem:s0+$0x3678];
	_ =	sdelay $0x2  }
0x385: {  	s31 =	sshll.u32 s2, $0x6  }
0x386: {  	s0 =	sshra.s32 s31, $0x2  }
0x387: {  	s2 =	sadd.s32 $0x1, s2;
	[tilespmem:s0+$0x3678] =	vst v0  }
.LBB2_47:
0x388: {  	s3 =	sadd.s32 $0x1, s3  }
0x389: {  	p1 =	sne.s32 s3, $0x20  }
.Ltmp33:
0x38a: {  	_ = 	snop;
	(pc) =	sbr.rel @!p1 .LBB2_48-.Ltmp33, $1  }
0x38b: {  	_ =	sdelay $0x3  }
.LBB2_40:
0x38c: {  	v0 =	vld.msk [tilespmem:s3+$0x3658], $0x1;
	_ =	sdelay $0x4  }
0x38d: {  	(v2sf) =	vpush v0, $0x0;
	_ =	sdelay $0xe  }
0x38e: {  	s4 =	spop (v2sf)  }
0x38f: {  	p1 =	seq.s32 s4, $0xFFFFFFFF  }
.Ltmp34:
0x390: {  	_ = 	snop;
	(pc) =	sbr.rel @p1 .LBB2_47-.Ltmp34, $1  }
0x391: {  	_ =	sdelay $0x3  }
0x392: {  	p1 =	slt.s32 s2, $0x1  }
.Ltmp35:
0x393: {  	_ = 	snop;
	(pc) =	sbr.rel @p1 .LBB2_45-.Ltmp35, $1  }
0x394: {  	_ =	sdelay $0x3  }
0x395: {  	s5 =	simm.s32 $0x3658;
	p1 =	por $0x0, $0x0  }
0x396: {  	v1 =	vld.msk @!p1 [tilespmem:s5+$0x0], $0x1;
	_ =	sdelay $0x4  }
0x397: {  	(v2sf) =	vpush @!p1 v1, $0x0;
	_ =	sdelay $0xd  }
0x398: {  	p3 =	sne.s32 s2, $0x1  }
.Ltmp36:
0x399: {  	s0 =	spop @!p1 (v2sf);
	(pc) =	sbr.rel @!p3 .LBB2_44-.Ltmp36, $4  }
0x39a: {  	p2 =	seq.s32 @!p1 s4, s0  }
0x39b: {  	s6 =	simm.s32 $0x0;
	p2 =	por !p2, p1  }
0x39c: {  	s0 =	simm.s32 $0xFFFFFFFF;
	s6 =	simm.s32 @p2 $0xFFFFFFFF  }
0x39d: {  	s7 =	simm.s32 $0x1;
	s6 =	smov.u32 @p1 s0  }
.LBB2_43:
0x39e: {  	s0 =	smov.u32 s6;
	p1 =	sne.s32 s6, $0xFFFFFFFF  }
0x39f: {  	s5 =	sadd.s32 $0x1, s5;
	s6 =	smov.u32 s7;
	s7 =	sadd.s32 $0x1, s7  }
0x3a0: {  	p2 =	sne.s32 s2, s7;
	v1 =	vld.msk @!p1 [tilespmem:s5+$0x0], $0x1;
	_ =	sdelay $0x4  }
0x3a1: {  	(v2sf) =	vpush @!p1 v1, $0x0;
	_ =	sdelay $0xe  }
.Ltmp37:
0x3a2: {  	s8 =	spop @!p1 (v2sf);
	(pc) =	sbr.rel @p2 .LBB2_43-.Ltmp37, $4  }
0x3a3: {  	p3 =	seq.s32 @!p1 s4, s8  }
0x3a4: {  	p3 =	por !p3, p1  }
0x3a5: {  	s6 =	simm.s32 @p3 $0xFFFFFFFF  }
0x3a6: {  	s6 =	smov.u32 @p1 s0  }
.LBB2_44:
0x3a7: {  	p1 =	sne.s32 s6, $0xFFFFFFFF  }
.Ltmp38:
0x3a8: {  	_ = 	snop;
	(pc) =	sbr.rel @!p1 .LBB2_45-.Ltmp38, $1  }
0x3a9: {  	_ =	sdelay $0x3  }
0x3aa: {  	s0 =	sshll.u32 s3, $0x4  }
0x3ab: {  	s0 =	sand.u32 $0x3FFFFFF0, s0  }
0x3ac: {  	v0 =	vld [tilespmem:s0+$0x3678]  }
.Ltmp39:
0x3ad: {  	_ = 	snop;
	(pc) =	sbr.rel .LBB2_47-.Ltmp39, $4  }
0x3ae: {  	_ = 	snop  }
0x3af: {  	s31 =	sshll.u32 s6, $0x6  }
0x3b0: {  	s0 =	sshra.s32 s31, $0x2  }
0x3b1: {  	[tilespmem:s0+$0x3678] =	vst.add.f32.msk $0xffff, v0  }
.LBB2_48:
0x3b2: {  	p1 =	slt.s32 s2, $0x1  }
.Ltmp40:
0x3b3: {  	_ = 	snop;
	(pc) =	sbr.rel @p1 .LBB2_52-.Ltmp40, $3  }
0x3b4: {  	_ =	sdelay $0x1  }
0x3b5: {  	s0 =	simm.s32 $0x8  }
0x3b6: {  	s3 =	simm.s32 $0x0;
	[sflag:s0] =	ssyncpa.u1 $0x1  }
0x3b7: {  	s0 =	simm.s32 $0x3658  }
0x3b8: {  	v0 =	vld.msk [tilespmem:s0+$0x0], $0x1;
	_ =	sdelay $0x4  }
0x3b9: {  	(v2sf) =	vpush v0, $0x0;
	_ =	sdelay $0xe  }
0x3ba: {  	s2 =	sadd.s32 $0xFFFFFFFF, s2;
	s0 =	spop (v2sf)  }
0x3bb: {  	p2 =	sne.s32 s2, $0x0;
	p1 =	sgt.u32 s0, $0x270FF  }
.Ltmp41:
0x3bc: {  	s5 =	sand.u32 @!p1 $0x3FFF8, s0;
	(pc) =	sbr.rel @!p2 .LBB2_51-.Ltmp41, $4  }
0x3bd: {  	s4 =	simm.s32 $0x3678;
	s0 =	sand.u32 @!p1 $0x7, s0;
	s5 =	sadd.s32 @!p1 s1, s5  }
0x3be: {  	[hbm4b:s5+s0] =	stream.linear.scatter @!p1 [tilespmem:s4], [sflag:$0x7], $0x8, $0x38;
	[tilespmem:$0x1F0F8] =	vst v63  }
0x3bf: {  	s0 =	simm.s32 $0x0  }
0x3c0: {  	s5 =	simm.s32 $0x3659;
	s0 =	simm.s32 @!p1 $0x20  }
.LBB2_50:
0x3c1: {  	v0 =	vld.msk [tilespmem:s5+$0x0], $0x1;
	s2 =	sadd.s32 $0xFFFFFFFF, s2;
	s3 =	sadd.s32 s3, s0  }
0x3c2: {  	p1 =	sne.s32 s2, $0x0;
	_ =	sdelay $0x3  }
0x3c3: {  	(v2sf) =	vpush v0, $0x0;
	_ =	sdelay $0xe  }
.Ltmp42:
0x3c4: {  	s6 =	spop (v2sf);
	(pc) =	sbr.rel @p1 .LBB2_50-.Ltmp42, $4  }
0x3c5: {  	s0 =	simm.s32 $0x0;
	p2 =	sgt.u32 s6, $0x270FF  }
0x3c6: {  	s4 =	sadd.s32 $0x10, s4;
	s0 =	simm.s32 @!p2 $0x20;
	s7 =	sand.u32 @!p2 $0x3FFF8, s6  }
0x3c7: {  	s5 =	sadd.s32 $0x1, s5;
	s6 =	sand.u32 @!p2 $0x7, s6;
	s7 =	sadd.s32 @!p2 s1, s7  }
0x3c8: {  	[hbm4b:s7+s6] =	stream.linear.scatter @!p2 [tilespmem:s4], [sflag:$0x7], $0x8, $0x38;
	[tilespmem:$0x1F0F8] =	vst v63  }
.LBB2_51:
0x3c9: {  	s0 =	sadd.s32 s3, s0  }
0x3ca: {  	s3 =	sshrl.u32 s0, $0x2  }
.LBB2_52:
0x3cb: {  	s0 =	simm.s32 $0x7  }
0x3cc: {  	_ =	swait.ge [sflag:s0], s3  }
0x3cd: {  	s1 =	ssub.s32 $0x0, s3;
	[sflag:s0] =	ssyncset.done $0x0  }
0x3ce: {  	[sflag:s0] =	ssyncadd.s32 s1  }
0x3cf: {  	[sflag:s0] =	ssyncpa.u1 $0x1  }
.LBB2_53:
0x3d0: {  	_ =	sfence;
	s0 =	simm.s32 $0x1  }
0x3d1: {  	[sflag:s0] =	ssyncpa.u1 $0x1  }
0x3d2: {  	_ =	strace $0x90000047  }
0x3d3: {  	[bflag:$0x2] =	sbarrier.arrive $0xFFFF  }
0x3d4: {  	s0 =	rddreg [dreg:$0x4]  }
0x3d5: {  	s0 =	sadd.s32 @!p0 $0x100000, s0  }
0x3d6: {  	[sflag:s0] =	ssyncadd.tile.s32 @!p0 $0x1;
	_ =	shalt  }
.Lfunc_end2:
_tile_overlayer_lowered:
.L_overlay_start_2:
0x3d7: {  	(tag) =	ssettag $0x2  }
0x3d8: {  	s0 =	rddreg [dreg:$0x0];
	s2 =	stileid.u32  }
0x3d9: {  	s1 =	rddreg [dreg:$0x1];
	p0 =	sne.s32 s2, $0x0  }
0x3da: {  	s3 =	rddreg [dreg:$0x2];
	[bflag:$0x3] =	sbarrier.arrive $0xFFFF;
	s2 =	simm.s32 @!p0 $0x1C01  }
0x3db: {  	[timem:s3], [sflag:s2] =	dma.local @!p0 [hbm:s0], s1  }
0x3dc: {  	s0 =	simm.s32 @!p0 $0x1  }
0x3dd: {  	_ =	swait.ge @!p0 [sflag:s0], s1  }
0x3de: {  	s1 =	ssub.s32 @!p0 $0x0, s1;
	[sflag:s0] =	ssyncset.done @!p0 $0x0  }
0x3df: {  	[sflag:s0] =	ssyncadd.s32 @!p0 s1  }
0x3e0: {  	[bflag:$0x3] =	sbarrier.arrive $0xFFFF  }
0x3e1: {  	_ =	shalt  }

</sc_bundles>
